<compile_context>
chip_gen: v7x
topology: tpu7x:2x2x1
jax: 0.10.2.dev20260603
libtpu: 0.0.44.dev20260713+nightly
codegen_flags: <defaults>
</compile_context>

<pallas_src>
import jax
import jax.numpy as jnp
from jax import lax
from jax.experimental import pallas as pl
from jax.experimental.pallas import tpu as pltpu
from jax.experimental.pallas import tpu_sc as plsc

EMBED_DIM = 64
LANES = 16
NUM_CORES = 2
NUM_SUBCORES = 16
NUM_WORKERS = NUM_CORES * NUM_SUBCORES
CHUNK = 256
SLICES = EMBED_DIM // LANES
VOCAB = 53


def _body(idx_hbm, x_hbm, tab_hbm, w_hbm, b_hbm, out_hbm,
          tab_v, w_v, b_v,
          idx_a, x_a, rows_a, in_sem_a, out_sem_a,
          idx_b, x_b, rows_b, in_sem_b, out_sem_b):
    wid = lax.axis_index("s") * NUM_CORES + lax.axis_index("c")
    rows_per_worker = out_hbm.shape[0] // NUM_WORKERS
    n_chunks = rows_per_worker // CHUNK
    worker_base = wid * rows_per_worker

    pltpu.sync_copy(w_hbm, w_v)
    pltpu.sync_copy(b_hbm, b_v)
    pltpu.sync_copy(tab_hbm, tab_v)
    w_regs = [w_v[pl.ds(c * LANES, LANES)] for c in range(SLICES)]
    b_regs = [b_v[pl.ds(c * LANES, LANES)] for c in range(SLICES)]

    def fold_row(v, _):
        for c in range(SLICES):
            sl = pl.ds(c * LANES, LANES)
            tab_v[v, sl] = tab_v[v, sl] + b_regs[c]
        return _

    lax.fori_loop(0, VOCAB, fold_row, None)

    col_regs = [c * LANES + lax.iota(jnp.int32, LANES) for c in range(SLICES)]

    def fetch(ci, idx_v, x_v, sem):
        base = worker_base + ci * CHUNK
        pltpu.async_copy(idx_hbm.at[pl.ds(base, CHUNK)], idx_v, sem)
        pltpu.async_copy(x_hbm.at[pl.ds(base, CHUNK)], x_v, sem)

    def fetch_wait(ci, idx_v, x_v, sem):
        base = worker_base + ci * CHUNK
        pltpu.make_async_copy(idx_hbm.at[pl.ds(base, CHUNK)], idx_v,
                              sem).wait()
        pltpu.make_async_copy(x_hbm.at[pl.ds(base, CHUNK)], x_v, sem).wait()

    def store_wait(ci, rows_v, sem):
        base = worker_base + ci * CHUNK
        pltpu.make_async_copy(rows_v, out_hbm.at[pl.ds(base, CHUNK)],
                              sem).wait()

    def process(ci, idx_v, x_v, rows_v, in_sem, out_sem):
        fetch_wait(ci, idx_v, x_v, in_sem)

        @pl.when(ci >= 2)
        def _drain():
            store_wait(ci - 2, rows_v, out_sem)

        @plsc.parallel_loop(0, CHUNK, step=1, unroll=16)
        def row_body(r):
            lane_r = jnp.broadcast_to(r, (LANES,))
            iv = plsc.load_gather(idx_v, [lane_r])
            xs = plsc.load_gather(x_v, [lane_r])
            for c in range(SLICES):
                tr = plsc.load_gather(tab_v, [iv, col_regs[c]])
                rows_v[r, pl.ds(c * LANES, LANES)] = tr + xs * w_regs[c]

        base = worker_base + ci * CHUNK
        pltpu.async_copy(rows_v, out_hbm.at[pl.ds(base, CHUNK)], out_sem)

        @pl.when(ci + 2 < n_chunks)
        def _prefetch():
            fetch(ci + 2, idx_v, x_v, in_sem)

    fetch(0, idx_a, x_a, in_sem_a)
    fetch(1, idx_b, x_b, in_sem_b)

    def pair_body(cp, _):
        process(cp * 2, idx_a, x_a, rows_a, in_sem_a, out_sem_a)
        process(cp * 2 + 1, idx_b, x_b, rows_b, in_sem_b, out_sem_b)
        return _

    lax.fori_loop(0, n_chunks // 2, pair_body, None)
    store_wait(n_chunks - 2, rows_a, out_sem_a)
    store_wait(n_chunks - 1, rows_b, out_sem_b)


def kernel(discrete_expression, normalized_expr, bin_table, W, b):
    B, G = discrete_expression.shape
    N = B * G
    idx = discrete_expression.astype(jnp.int32).reshape(N)
    x = normalized_expr.reshape(N)
    w = W[:, 0]

    mesh = plsc.VectorSubcoreMesh(core_axis_name="c", subcore_axis_name="s")
    run = pl.kernel(
        _body,
        out_type=jax.ShapeDtypeStruct((N, EMBED_DIM), jnp.float32),
        mesh=mesh,
        compiler_params=pltpu.CompilerParams(needs_layout_passes=False),
        scratch_types=[
            pltpu.VMEM((VOCAB, EMBED_DIM), jnp.float32),
            pltpu.VMEM((EMBED_DIM,), jnp.float32),
            pltpu.VMEM((EMBED_DIM,), jnp.float32),
            pltpu.VMEM((CHUNK,), jnp.int32),
            pltpu.VMEM((CHUNK,), jnp.float32),
            pltpu.VMEM((CHUNK, EMBED_DIM), jnp.float32),
            pltpu.SemaphoreType.DMA,
            pltpu.SemaphoreType.DMA,
            pltpu.VMEM((CHUNK,), jnp.int32),
            pltpu.VMEM((CHUNK,), jnp.float32),
            pltpu.VMEM((CHUNK, EMBED_DIM), jnp.float32),
            pltpu.SemaphoreType.DMA,
            pltpu.SemaphoreType.DMA,
        ],
    )
    out = run(idx, x, bin_table, w, b)
    return out.reshape(B, G, EMBED_DIM)

# --- scband reference (transcript-rebuilt; emitter-appended) ---
"""Pipeline reference for scband-expression-embedding-10136122819127 (READ-ONLY COPY).

The authoritative reference and input builder live on the scoring server;
editing this copy changes nothing except your own understanding.
"""

import jax, jax.numpy as jnp
import numpy as np

EMBED_DIM = 64
NUM_BINS = 50
VOCAB = NUM_BINS + 3
B = 4096
G = 200

def _xavier(key, shape):
    fan_in, fan_out = shape[1], shape[0]
    a = float(np.sqrt(6.0 / (fan_in + fan_out)))
    return jax.random.uniform(key, shape, dtype=jnp.float32, minval=-a, maxval=a)

def setup_inputs(seed: int = 0) -> dict:
    key = jax.random.key(seed)
    k1, k2, k3, k4 = jax.random.split(key, 4)
    discrete_expression = jax.random.randint(k1, (B, G), 0, VOCAB, dtype=jnp.int64)
    normalized_expr = jax.random.normal(k2, (B, G), dtype=jnp.float32)
    # bin_embedding weight: xavier_uniform over (VOCAB, EMBED_DIM)
    bin_table = _xavier(k3, (VOCAB, EMBED_DIM))
    # continuous_projection: Linear(1, EMBED_DIM) -> weight (EMBED_DIM, 1), bias zeros
    W = _xavier(k4, (EMBED_DIM, 1))
    b = jnp.zeros((EMBED_DIM,), dtype=jnp.float32)
    return {"discrete_expression": discrete_expression, "normalized_expr": normalized_expr, "bin_table": bin_table, "W": W, "b": b}

def reference(discrete_expression, normalized_expr, bin_table, W, b):
    # bin embedding lookup (gather)
    discrete_embeddings = jnp.take(bin_table, discrete_expression, axis=0)  # (B, G, d)
    # continuous projection: Linear(1, d) on normalized_expr.unsqueeze(-1)
    continuous_component = jnp.matmul(normalized_expr[..., None], W.T) + b  # (B, G, d)
    expr_embeddings = discrete_embeddings + continuous_component
    return expr_embeddings

if __name__ == "__main__":
    import jax
    _d = setup_inputs()
    print(jax.jit(kernel)(*tuple(_d.values())))

</pallas_src>

<mosaic_0001>
#map = affine_map<(d0, d1) -> (0)>
#map1 = affine_map<(d0, d1) -> (0, 0)>
module attributes {stable_mosaic.version = 14 : i64} {
  func.func @_body(%arg0: i32, %arg1: i32, %arg2: memref<819200xi32, #tpu.memory_space<hbm>>, %arg3: memref<819200xf32, #tpu.memory_space<hbm>>, %arg4: memref<53x64xf32, #tpu.memory_space<hbm>>, %arg5: memref<64xf32, #tpu.memory_space<hbm>>, %arg6: memref<64xf32, #tpu.memory_space<hbm>>, %arg7: memref<819200x64xf32, #tpu.memory_space<hbm>>, %arg8: memref<53x64xf32, #tpu.memory_space<vmem>>, %arg9: memref<64xf32, #tpu.memory_space<vmem>>, %arg10: memref<64xf32, #tpu.memory_space<vmem>>, %arg11: memref<256xi32, #tpu.memory_space<vmem>>, %arg12: memref<256xf32, #tpu.memory_space<vmem>>, %arg13: memref<256x64xf32, #tpu.memory_space<vmem>>, %arg14: memref<!tpu.dma_semaphore, #tpu.memory_space<semaphore_mem>>, %arg15: memref<!tpu.dma_semaphore, #tpu.memory_space<semaphore_mem>>, %arg16: memref<256xi32, #tpu.memory_space<vmem>>, %arg17: memref<256xf32, #tpu.memory_space<vmem>>, %arg18: memref<256x64xf32, #tpu.memory_space<vmem>>, %arg19: memref<!tpu.dma_semaphore, #tpu.memory_space<semaphore_mem>>, %arg20: memref<!tpu.dma_semaphore, #tpu.memory_space<semaphore_mem>>) attributes {dimension_semantics = [#tpu.dimension_semantics<core_parallel>, #tpu.dimension_semantics<subcore_parallel>], iteration_bounds = array<i64: 2, 16>, scalar_prefetch = 0 : i64, scratch_operands = 13 : i64, tpu.core_type = #tpu.core_type<sc_vector_subcore>, window_params = [{transform_indices = #map}, {transform_indices = #map}, {transform_indices = #map1}, {transform_indices = #map}, {transform_indices = #map}, {transform_indices = #map1}]} {
    %mul3A = arith.constant 2 : i32
    %mul3A_0 = arith.muli %arg1, %mul3A : i32
    %add3A = arith.addi %mul3A_0, %arg0 : i32
    %mul3A_1 = arith.constant 25600 : i32
    %mul3A_2 = arith.muli %add3A, %mul3A_1 : i32
    "tpu.region"() ({
      %run_scoped3A = tpu.sem_alloc : memref<!tpu.dma_semaphore, #tpu.memory_space<semaphore_mem>>
      tpu.enqueue_dma source(%arg5 : memref<64xf32, #tpu.memory_space<hbm>>) target(%arg9 : memref<64xf32, #tpu.memory_space<vmem>>) target_semaphore(%run_scoped3A : memref<!tpu.dma_semaphore, #tpu.memory_space<semaphore_mem>>)
      tpu.wait_dma2 semaphore(%run_scoped3A : memref<!tpu.dma_semaphore, #tpu.memory_space<semaphore_mem>>) src(%arg5 : memref<64xf32, #tpu.memory_space<hbm>>) dst(%arg9 : memref<64xf32, #tpu.memory_space<vmem>>)
      tpu.yield
    }) : () -> ()
    "tpu.region"() ({
      %run_scoped3A = tpu.sem_alloc : memref<!tpu.dma_semaphore, #tpu.memory_space<semaphore_mem>>
      tpu.enqueue_dma source(%arg6 : memref<64xf32, #tpu.memory_space<hbm>>) target(%arg10 : memref<64xf32, #tpu.memory_space<vmem>>) target_semaphore(%run_scoped3A : memref<!tpu.dma_semaphore, #tpu.memory_space<semaphore_mem>>)
      tpu.wait_dma2 semaphore(%run_scoped3A : memref<!tpu.dma_semaphore, #tpu.memory_space<semaphore_mem>>) src(%arg6 : memref<64xf32, #tpu.memory_space<hbm>>) dst(%arg10 : memref<64xf32, #tpu.memory_space<vmem>>)
      tpu.yield
    }) : () -> ()
    "tpu.region"() ({
      %run_scoped3A = tpu.sem_alloc : memref<!tpu.dma_semaphore, #tpu.memory_space<semaphore_mem>>
      tpu.enqueue_dma source(%arg4 : memref<53x64xf32, #tpu.memory_space<hbm>>) target(%arg8 : memref<53x64xf32, #tpu.memory_space<vmem>>) target_semaphore(%run_scoped3A : memref<!tpu.dma_semaphore, #tpu.memory_space<semaphore_mem>>)
      tpu.wait_dma2 semaphore(%run_scoped3A : memref<!tpu.dma_semaphore, #tpu.memory_space<semaphore_mem>>) src(%arg4 : memref<53x64xf32, #tpu.memory_space<hbm>>) dst(%arg8 : memref<53x64xf32, #tpu.memory_space<vmem>>)
      tpu.yield
    }) : () -> ()
    %get3A = arith.constant 0 : index
    %get3A_3 = tpu.vector_load %arg9[%get3A] {strides = array<i32>} : memref<64xf32, #tpu.memory_space<vmem>>, vector<16xf32>,
    %get3A_4 = arith.constant 16 : index
    %get3A_5 = tpu.vector_load %arg9[%get3A_4] {strides = array<i32>} : memref<64xf32, #tpu.memory_space<vmem>>, vector<16xf32>,
    %get3A_6 = arith.constant 32 : index
    %get3A_7 = tpu.vector_load %arg9[%get3A_6] {strides = array<i32>} : memref<64xf32, #tpu.memory_space<vmem>>, vector<16xf32>,
    %get3A_8 = arith.constant 48 : index
    %get3A_9 = tpu.vector_load %arg9[%get3A_8] {strides = array<i32>} : memref<64xf32, #tpu.memory_space<vmem>>, vector<16xf32>,
    %get3A_10 = arith.constant 0 : index
    %get3A_11 = tpu.vector_load %arg10[%get3A_10] {strides = array<i32>} : memref<64xf32, #tpu.memory_space<vmem>>, vector<16xf32>,
    %get3A_12 = arith.constant 16 : index
    %get3A_13 = tpu.vector_load %arg10[%get3A_12] {strides = array<i32>} : memref<64xf32, #tpu.memory_space<vmem>>, vector<16xf32>,
    %get3A_14 = arith.constant 32 : index
    %get3A_15 = tpu.vector_load %arg10[%get3A_14] {strides = array<i32>} : memref<64xf32, #tpu.memory_space<vmem>>, vector<16xf32>,
    %get3A_16 = arith.constant 48 : index
    %get3A_17 = tpu.vector_load %arg10[%get3A_16] {strides = array<i32>} : memref<64xf32, #tpu.memory_space<vmem>>, vector<16xf32>,
    %scan3A = arith.constant 0 : i32
    %scan3A_18 = arith.constant 53 : i32
    %scan3A_19 = arith.addi %scan3A, %scan3A_18 : i32
    %scan3A_20 = arith.constant 1 : i32
    scf.for %scan3A_64 = %scan3A to %scan3A_19 step %scan3A_20  : i32 {
      %get3A_65 = arith.index_cast %scan3A_64 : i32 to index
      %get3A_66 = arith.constant 0 : index
      %get3A_67 = tpu.vector_load %arg8[%get3A_65, %get3A_66] {strides = array<i32>} : memref<53x64xf32, #tpu.memory_space<vmem>>, vector<16xf32>,
      %add3A_68 = arith.addf %get3A_67, %get3A_11 : vector<16xf32>
      %swap3A = arith.index_cast %scan3A_64 : i32 to index
      %swap3A_69 = arith.constant 0 : index
      %swap3A_70 = tpu.vector_load %arg8[%swap3A, %swap3A_69] {strides = array<i32>} : memref<53x64xf32, #tpu.memory_space<vmem>>, vector<16xf32>,
      tpu.vector_store %arg8[%swap3A, %swap3A_69], %add3A_68 {strides = array<i32>} : memref<53x64xf32, #tpu.memory_space<vmem>>, vector<16xf32>,
      %get3A_71 = arith.index_cast %scan3A_64 : i32 to index
      %get3A_72 = arith.constant 16 : index
      %get3A_73 = tpu.vector_load %arg8[%get3A_71, %get3A_72] {strides = array<i32>} : memref<53x64xf32, #tpu.memory_space<vmem>>, vector<16xf32>,
      %add3A_74 = arith.addf %get3A_73, %get3A_13 : vector<16xf32>
      %swap3A_75 = arith.index_cast %scan3A_64 : i32 to index
      %swap3A_76 = arith.constant 16 : index
      %swap3A_77 = tpu.vector_load %arg8[%swap3A_75, %swap3A_76] {strides = array<i32>} : memref<53x64xf32, #tpu.memory_space<vmem>>, vector<16xf32>,
      tpu.vector_store %arg8[%swap3A_75, %swap3A_76], %add3A_74 {strides = array<i32>} : memref<53x64xf32, #tpu.memory_space<vmem>>, vector<16xf32>,
      %get3A_78 = arith.index_cast %scan3A_64 : i32 to index
      %get3A_79 = arith.constant 32 : index
      %get3A_80 = tpu.vector_load %arg8[%get3A_78, %get3A_79] {strides = array<i32>} : memref<53x64xf32, #tpu.memory_space<vmem>>, vector<16xf32>,
      %add3A_81 = arith.addf %get3A_80, %get3A_15 : vector<16xf32>
      %swap3A_82 = arith.index_cast %scan3A_64 : i32 to index
      %swap3A_83 = arith.constant 32 : index
      %swap3A_84 = tpu.vector_load %arg8[%swap3A_82, %swap3A_83] {strides = array<i32>} : memref<53x64xf32, #tpu.memory_space<vmem>>, vector<16xf32>,
      tpu.vector_store %arg8[%swap3A_82, %swap3A_83], %add3A_81 {strides = array<i32>} : memref<53x64xf32, #tpu.memory_space<vmem>>, vector<16xf32>,
      %get3A_85 = arith.index_cast %scan3A_64 : i32 to index
      %get3A_86 = arith.constant 48 : index
      %get3A_87 = tpu.vector_load %arg8[%get3A_85, %get3A_86] {strides = array<i32>} : memref<53x64xf32, #tpu.memory_space<vmem>>, vector<16xf32>,
      %add3A_88 = arith.addf %get3A_87, %get3A_17 : vector<16xf32>
      %swap3A_89 = arith.index_cast %scan3A_64 : i32 to index
      %swap3A_90 = arith.constant 48 : index
      %swap3A_91 = tpu.vector_load %arg8[%swap3A_89, %swap3A_90] {strides = array<i32>} : memref<53x64xf32, #tpu.memory_space<vmem>>, vector<16xf32>,
      tpu.vector_store %arg8[%swap3A_89, %swap3A_90], %add3A_88 {strides = array<i32>} : memref<53x64xf32, #tpu.memory_space<vmem>>, vector<16xf32>,
    }
    %scan3A_21 = arith.constant 53 : i32
    %iota3A = tpu.iota {dimensions = array<i32: 0>} : vector<16xi32>
    %add3A_22 = arith.constant 0 : i32
    %add3A_23 = vector.broadcast %add3A_22 : i32 to vector<16xi32>
    %add3A_24 = arith.addi %add3A_23, %iota3A : vector<16xi32>
    %iota3A_25 = tpu.iota {dimensions = array<i32: 0>} : vector<16xi32>
    %add3A_26 = arith.constant 16 : i32
    %add3A_27 = vector.broadcast %add3A_26 : i32 to vector<16xi32>
    %add3A_28 = arith.addi %add3A_27, %iota3A_25 : vector<16xi32>
    %iota3A_29 = tpu.iota {dimensions = array<i32: 0>} : vector<16xi32>
    %add3A_30 = arith.constant 32 : i32
    %add3A_31 = vector.broadcast %add3A_30 : i32 to vector<16xi32>
    %add3A_32 = arith.addi %add3A_31, %iota3A_29 : vector<16xi32>
    %iota3A_33 = tpu.iota {dimensions = array<i32: 0>} : vector<16xi32>
    %add3A_34 = arith.constant 48 : i32
    %add3A_35 = vector.broadcast %add3A_34 : i32 to vector<16xi32>
    %add3A_36 = arith.addi %add3A_35, %iota3A_33 : vector<16xi32>
    %add3A_37 = arith.constant 0 : i32
    %add3A_38 = arith.addi %mul3A_2, %add3A_37 : i32
    %dma_start3A = tpu.memref_slice %arg2[%add3A_38] : memref<819200xi32, #tpu.memory_space<hbm>> -> memref<256xi32, #tpu.memory_space<hbm>>
    %dma_start3A_39 = tpu.memref_slice %arg2[%add3A_38] : memref<819200xi32, #tpu.memory_space<hbm>> -> memref<256xi32, #tpu.memory_space<hbm>>
    tpu.enqueue_dma source(%dma_start3A_39 : memref<256xi32, #tpu.memory_space<hbm>>) target(%arg11 : memref<256xi32, #tpu.memory_space<vmem>>) target_semaphore(%arg14 : memref<!tpu.dma_semaphore, #tpu.memory_space<semaphore_mem>>)
    %dma_start3A_40 = tpu.memref_slice %arg3[%add3A_38] : memref<819200xf32, #tpu.memory_space<hbm>> -> memref<256xf32, #tpu.memory_space<hbm>>
    %dma_start3A_41 = tpu.memref_slice %arg3[%add3A_38] : memref<819200xf32, #tpu.memory_space<hbm>> -> memref<256xf32, #tpu.memory_space<hbm>>
    tpu.enqueue_dma source(%dma_start3A_41 : memref<256xf32, #tpu.memory_space<hbm>>) target(%arg12 : memref<256xf32, #tpu.memory_space<vmem>>) target_semaphore(%arg14 : memref<!tpu.dma_semaphore, #tpu.memory_space<semaphore_mem>>)
    %add3A_42 = arith.constant 256 : i32
    %add3A_43 = arith.addi %mul3A_2, %add3A_42 : i32
    %dma_start3A_44 = tpu.memref_slice %arg2[%add3A_43] : memref<819200xi32, #tpu.memory_space<hbm>> -> memref<256xi32, #tpu.memory_space<hbm>>
    %dma_start3A_45 = tpu.memref_slice %arg2[%add3A_43] : memref<819200xi32, #tpu.memory_space<hbm>> -> memref<256xi32, #tpu.memory_space<hbm>>
    tpu.enqueue_dma source(%dma_start3A_45 : memref<256xi32, #tpu.memory_space<hbm>>) target(%arg16 : memref<256xi32, #tpu.memory_space<vmem>>) target_semaphore(%arg19 : memref<!tpu.dma_semaphore, #tpu.memory_space<semaphore_mem>>)
    %dma_start3A_46 = tpu.memref_slice %arg3[%add3A_43] : memref<819200xf32, #tpu.memory_space<hbm>> -> memref<256xf32, #tpu.memory_space<hbm>>
    %dma_start3A_47 = tpu.memref_slice %arg3[%add3A_43] : memref<819200xf32, #tpu.memory_space<hbm>> -> memref<256xf32, #tpu.memory_space<hbm>>
    tpu.enqueue_dma source(%dma_start3A_47 : memref<256xf32, #tpu.memory_space<hbm>>) target(%arg17 : memref<256xf32, #tpu.memory_space<vmem>>) target_semaphore(%arg19 : memref<!tpu.dma_semaphore, #tpu.memory_space<semaphore_mem>>)
    %scan3A_48 = arith.constant 0 : i32
    %scan3A_49 = arith.constant 50 : i32
    %scan3A_50 = arith.addi %scan3A_48, %scan3A_49 : i32
    %scan3A_51 = arith.constant 1 : i32
    scf.for %scan3A_64 = %scan3A_48 to %scan3A_50 step %scan3A_51  : i32 {
      %mul3A_65 = arith.constant 2 : i32
      %mul3A_66 = arith.muli %scan3A_64, %mul3A_65 : i32
      %mul3A_67 = arith.constant 256 : i32
      %mul3A_68 = arith.muli %mul3A_66, %mul3A_67 : i32
      %add3A_69 = arith.addi %mul3A_2, %mul3A_68 : i32
      %dma_wait3A_70 = tpu.memref_slice %arg2[%add3A_69] : memref<819200xi32, #tpu.memory_space<hbm>> -> memref<256xi32, #tpu.memory_space<hbm>>
      %dma_wait3A_71 = tpu.memref_slice %arg2[%add3A_69] : memref<819200xi32, #tpu.memory_space<hbm>> -> memref<256xi32, #tpu.memory_space<hbm>>
      tpu.wait_dma2 semaphore(%arg14 : memref<!tpu.dma_semaphore, #tpu.memory_space<semaphore_mem>>) src(%dma_wait3A_71 : memref<256xi32, #tpu.memory_space<hbm>>) dst(%arg11 : memref<256xi32, #tpu.memory_space<vmem>>)
      %dma_wait3A_72 = tpu.memref_slice %arg3[%add3A_69] : memref<819200xf32, #tpu.memory_space<hbm>> -> memref<256xf32, #tpu.memory_space<hbm>>
      %dma_wait3A_73 = tpu.memref_slice %arg3[%add3A_69] : memref<819200xf32, #tpu.memory_space<hbm>> -> memref<256xf32, #tpu.memory_space<hbm>>
      tpu.wait_dma2 semaphore(%arg14 : memref<!tpu.dma_semaphore, #tpu.memory_space<semaphore_mem>>) src(%dma_wait3A_73 : memref<256xf32, #tpu.memory_space<hbm>>) dst(%arg12 : memref<256xf32, #tpu.memory_space<vmem>>)
      %ge3A = arith.constant 2 : i32
      %ge3A_74 = arith.cmpi sge, %mul3A_66, %ge3A : i32
      %convert_element_type3A = arith.extui %ge3A_74 : i1 to i32
      %cond3A = arith.constant 0 : i32
      %cond3A_75 = arith.cmpi ne, %convert_element_type3A, %cond3A : i32
      scf.if %cond3A_75 {
        %sub3A = arith.constant 2 : i32
        %sub3A_124 = arith.subi %mul3A_66, %sub3A : i32
        %mul3A_125 = arith.constant 256 : i32
        %mul3A_126 = arith.muli %sub3A_124, %mul3A_125 : i32
        %add3A_127 = arith.addi %mul3A_2, %mul3A_126 : i32
        %dma_wait3A_128 = arith.constant 0 : i32
        %dma_wait3A_129 = tpu.memref_slice %arg7[%add3A_127, %dma_wait3A_128] : memref<819200x64xf32, #tpu.memory_space<hbm>> -> memref<256x64xf32, #tpu.memory_space<hbm>>
        %dma_wait3A_130 = arith.constant 0 : i32
        %dma_wait3A_131 = tpu.memref_slice %arg7[%add3A_127, %dma_wait3A_130] : memref<819200x64xf32, #tpu.memory_space<hbm>> -> memref<256x64xf32, #tpu.memory_space<hbm>>
        tpu.wait_dma2 semaphore(%arg15 : memref<!tpu.dma_semaphore, #tpu.memory_space<semaphore_mem>>) src(%arg13 : memref<256x64xf32, #tpu.memory_space<vmem>>) dst(%dma_wait3A_131 : memref<256x64xf32, #tpu.memory_space<hbm>>)
      } else {
      }
      %parallel_loop3A = arith.constant 0 : i32
      %parallel_loop3A_76 = arith.constant 256 : i32
      %parallel_loop3A_77 = arith.constant 1 : i32
      scf.for %parallel_loop3A_124 = %parallel_loop3A to %parallel_loop3A_76 step %parallel_loop3A_77  : i32 {
        %parallel_loop3A_125 = vector.broadcast %parallel_loop3A_124 : i32 to vector<16xi32>
        %parallel_loop3A_126 = tpu.vector_load_idx %arg11[%parallel_loop3A_125] : memref<256xi32, #tpu.memory_space<vmem>>[vector<16xi32>], vector<16xi32>,
        %parallel_loop3A_127 = tpu.vector_load_idx %arg12[%parallel_loop3A_125] : memref<256xf32, #tpu.memory_space<vmem>>[vector<16xi32>], vector<16xf32>,
        %parallel_loop3A_128 = tpu.vector_load_idx %arg8[%parallel_loop3A_126, %add3A_24] : memref<53x64xf32, #tpu.memory_space<vmem>>[vector<16xi32>, vector<16xi32>], vector<16xf32>,
        %parallel_loop3A_129 = arith.mulf %parallel_loop3A_127, %get3A_3 : vector<16xf32>
        %parallel_loop3A_130 = arith.addf %parallel_loop3A_128, %parallel_loop3A_129 : vector<16xf32>
        %parallel_loop3A_131 = arith.index_cast %parallel_loop3A_124 : i32 to index
        %parallel_loop3A_132 = arith.constant 0 : index
        %parallel_loop3A_133 = tpu.vector_load %arg13[%parallel_loop3A_131, %parallel_loop3A_132] {strides = array<i32>} : memref<256x64xf32, #tpu.memory_space<vmem>>, vector<16xf32>,
        tpu.vector_store %arg13[%parallel_loop3A_131, %parallel_loop3A_132], %parallel_loop3A_130 {strides = array<i32>} : memref<256x64xf32, #tpu.memory_space<vmem>>, vector<16xf32>,
        %parallel_loop3A_134 = tpu.vector_load_idx %arg8[%parallel_loop3A_126, %add3A_28] : memref<53x64xf32, #tpu.memory_space<vmem>>[vector<16xi32>, vector<16xi32>], vector<16xf32>,
        %parallel_loop3A_135 = arith.mulf %parallel_loop3A_127, %get3A_5 : vector<16xf32>
        %parallel_loop3A_136 = arith.addf %parallel_loop3A_134, %parallel_loop3A_135 : vector<16xf32>
        %parallel_loop3A_137 = arith.index_cast %parallel_loop3A_124 : i32 to index
        %parallel_loop3A_138 = arith.constant 16 : index
        %parallel_loop3A_139 = tpu.vector_load %arg13[%parallel_loop3A_137, %parallel_loop3A_138] {strides = array<i32>} : memref<256x64xf32, #tpu.memory_space<vmem>>, vector<16xf32>,
        tpu.vector_store %arg13[%parallel_loop3A_137, %parallel_loop3A_138], %parallel_loop3A_136 {strides = array<i32>} : memref<256x64xf32, #tpu.memory_space<vmem>>, vector<16xf32>,
        %parallel_loop3A_140 = tpu.vector_load_idx %arg8[%parallel_loop3A_126, %add3A_32] : memref<53x64xf32, #tpu.memory_space<vmem>>[vector<16xi32>, vector<16xi32>], vector<16xf32>,
        %parallel_loop3A_141 = arith.mulf %parallel_loop3A_127, %get3A_7 : vector<16xf32>
        %parallel_loop3A_142 = arith.addf %parallel_loop3A_140, %parallel_loop3A_141 : vector<16xf32>
        %parallel_loop3A_143 = arith.index_cast %parallel_loop3A_124 : i32 to index
        %parallel_loop3A_144 = arith.constant 32 : index
        %parallel_loop3A_145 = tpu.vector_load %arg13[%parallel_loop3A_143, %parallel_loop3A_144] {strides = array<i32>} : memref<256x64xf32, #tpu.memory_space<vmem>>, vector<16xf32>,
        tpu.vector_store %arg13[%parallel_loop3A_143, %parallel_loop3A_144], %parallel_loop3A_142 {strides = array<i32>} : memref<256x64xf32, #tpu.memory_space<vmem>>, vector<16xf32>,
        %parallel_loop3A_146 = tpu.vector_load_idx %arg8[%parallel_loop3A_126, %add3A_36] : memref<53x64xf32, #tpu.memory_space<vmem>>[vector<16xi32>, vector<16xi32>], vector<16xf32>,
        %parallel_loop3A_147 = arith.mulf %parallel_loop3A_127, %get3A_9 : vector<16xf32>
        %parallel_loop3A_148 = arith.addf %parallel_loop3A_146, %parallel_loop3A_147 : vector<16xf32>
        %parallel_loop3A_149 = arith.index_cast %parallel_loop3A_124 : i32 to index
        %parallel_loop3A_150 = arith.constant 48 : index
        %parallel_loop3A_151 = tpu.vector_load %arg13[%parallel_loop3A_149, %parallel_loop3A_150] {strides = array<i32>} : memref<256x64xf32, #tpu.memory_space<vmem>>, vector<16xf32>,
        tpu.vector_store %arg13[%parallel_loop3A_149, %parallel_loop3A_150], %parallel_loop3A_148 {strides = array<i32>} : memref<256x64xf32, #tpu.memory_space<vmem>>, vector<16xf32>,
      } {sc.loop_unroll_factor = 16 : i64, sc.parallel_access}
      %mul3A_78 = arith.constant 256 : i32
      %mul3A_79 = arith.muli %mul3A_66, %mul3A_78 : i32
      %add3A_80 = arith.addi %mul3A_2, %mul3A_79 : i32
      %dma_start3A_81 = arith.constant 0 : i32
      %dma_start3A_82 = tpu.memref_slice %arg7[%add3A_80, %dma_start3A_81] : memref<819200x64xf32, #tpu.memory_space<hbm>> -> memref<256x64xf32, #tpu.memory_space<hbm>>
      %dma_start3A_83 = arith.constant 0 : i32
      %dma_start3A_84 = tpu.memref_slice %arg7[%add3A_80, %dma_start3A_83] : memref<819200x64xf32, #tpu.memory_space<hbm>> -> memref<256x64xf32, #tpu.memory_space<hbm>>
      tpu.enqueue_dma source(%arg13 : memref<256x64xf32, #tpu.memory_space<vmem>>) target(%dma_start3A_84 : memref<256x64xf32, #tpu.memory_space<hbm>>) target_semaphore(%arg15 : memref<!tpu.dma_semaphore, #tpu.memory_space<semaphore_mem>>)
      %add3A_85 = arith.constant 2 : i32
      %add3A_86 = arith.addi %mul3A_66, %add3A_85 : i32
      %lt3A = arith.constant 100 : i32
      %lt3A_87 = arith.cmpi slt, %add3A_86, %lt3A : i32
      %convert_element_type3A_88 = arith.extui %lt3A_87 : i1 to i32
      %cond3A_89 = arith.constant 0 : i32
      %cond3A_90 = arith.cmpi ne, %convert_element_type3A_88, %cond3A_89 : i32
      scf.if %cond3A_90 {
        %add3A_124 = arith.constant 2 : i32
        %add3A_125 = arith.addi %mul3A_66, %add3A_124 : i32
        %mul3A_126 = arith.constant 256 : i32
        %mul3A_127 = arith.muli %add3A_125, %mul3A_126 : i32
        %add3A_128 = arith.addi %mul3A_2, %mul3A_127 : i32
        %dma_start3A_129 = tpu.memref_slice %arg2[%add3A_128] : memref<819200xi32, #tpu.memory_space<hbm>> -> memref<256xi32, #tpu.memory_space<hbm>>
        %dma_start3A_130 = tpu.memref_slice %arg2[%add3A_128] : memref<819200xi32, #tpu.memory_space<hbm>> -> memref<256xi32, #tpu.memory_space<hbm>>
        tpu.enqueue_dma source(%dma_start3A_130 : memref<256xi32, #tpu.memory_space<hbm>>) target(%arg11 : memref<256xi32, #tpu.memory_space<vmem>>) target_semaphore(%arg14 : memref<!tpu.dma_semaphore, #tpu.memory_space<semaphore_mem>>)
        %dma_start3A_131 = tpu.memref_slice %arg3[%add3A_128] : memref<819200xf32, #tpu.memory_space<hbm>> -> memref<256xf32, #tpu.memory_space<hbm>>
        %dma_start3A_132 = tpu.memref_slice %arg3[%add3A_128] : memref<819200xf32, #tpu.memory_space<hbm>> -> memref<256xf32, #tpu.memory_space<hbm>>
        tpu.enqueue_dma source(%dma_start3A_132 : memref<256xf32, #tpu.memory_space<hbm>>) target(%arg12 : memref<256xf32, #tpu.memory_space<vmem>>) target_semaphore(%arg14 : memref<!tpu.dma_semaphore, #tpu.memory_space<semaphore_mem>>)
      } else {
      }
      %mul3A_91 = arith.constant 2 : i32
      %mul3A_92 = arith.muli %scan3A_64, %mul3A_91 : i32
      %add3A_93 = arith.constant 1 : i32
      %add3A_94 = arith.addi %mul3A_92, %add3A_93 : i32
      %mul3A_95 = arith.constant 256 : i32
      %mul3A_96 = arith.muli %add3A_94, %mul3A_95 : i32
      %add3A_97 = arith.addi %mul3A_2, %mul3A_96 : i32
      %dma_wait3A_98 = tpu.memref_slice %arg2[%add3A_97] : memref<819200xi32, #tpu.memory_space<hbm>> -> memref<256xi32, #tpu.memory_space<hbm>>
      %dma_wait3A_99 = tpu.memref_slice %arg2[%add3A_97] : memref<819200xi32, #tpu.memory_space<hbm>> -> memref<256xi32, #tpu.memory_space<hbm>>
      tpu.wait_dma2 semaphore(%arg19 : memref<!tpu.dma_semaphore, #tpu.memory_space<semaphore_mem>>) src(%dma_wait3A_99 : memref<256xi32, #tpu.memory_space<hbm>>) dst(%arg16 : memref<256xi32, #tpu.memory_space<vmem>>)
      %dma_wait3A_100 = tpu.memref_slice %arg3[%add3A_97] : memref<819200xf32, #tpu.memory_space<hbm>> -> memref<256xf32, #tpu.memory_space<hbm>>
      %dma_wait3A_101 = tpu.memref_slice %arg3[%add3A_97] : memref<819200xf32, #tpu.memory_space<hbm>> -> memref<256xf32, #tpu.memory_space<hbm>>
      tpu.wait_dma2 semaphore(%arg19 : memref<!tpu.dma_semaphore, #tpu.memory_space<semaphore_mem>>) src(%dma_wait3A_101 : memref<256xf32, #tpu.memory_space<hbm>>) dst(%arg17 : memref<256xf32, #tpu.memory_space<vmem>>)
      %ge3A_102 = arith.constant 2 : i32
      %ge3A_103 = arith.cmpi sge, %add3A_94, %ge3A_102 : i32
      %convert_element_type3A_104 = arith.extui %ge3A_103 : i1 to i32
      %cond3A_105 = arith.constant 0 : i32
      %cond3A_106 = arith.cmpi ne, %convert_element_type3A_104, %cond3A_105 : i32
      scf.if %cond3A_106 {
        %sub3A = arith.constant 2 : i32
        %sub3A_124 = arith.subi %add3A_94, %sub3A : i32
        %mul3A_125 = arith.constant 256 : i32
        %mul3A_126 = arith.muli %sub3A_124, %mul3A_125 : i32
        %add3A_127 = arith.addi %mul3A_2, %mul3A_126 : i32
        %dma_wait3A_128 = arith.constant 0 : i32
        %dma_wait3A_129 = tpu.memref_slice %arg7[%add3A_127, %dma_wait3A_128] : memref<819200x64xf32, #tpu.memory_space<hbm>> -> memref<256x64xf32, #tpu.memory_space<hbm>>
        %dma_wait3A_130 = arith.constant 0 : i32
        %dma_wait3A_131 = tpu.memref_slice %arg7[%add3A_127, %dma_wait3A_130] : memref<819200x64xf32, #tpu.memory_space<hbm>> -> memref<256x64xf32, #tpu.memory_space<hbm>>
        tpu.wait_dma2 semaphore(%arg20 : memref<!tpu.dma_semaphore, #tpu.memory_space<semaphore_mem>>) src(%arg18 : memref<256x64xf32, #tpu.memory_space<vmem>>) dst(%dma_wait3A_131 : memref<256x64xf32, #tpu.memory_space<hbm>>)
      } else {
      }
      %parallel_loop3A_107 = arith.constant 0 : i32
      %parallel_loop3A_108 = arith.constant 256 : i32
      %parallel_loop3A_109 = arith.constant 1 : i32
      scf.for %parallel_loop3A_124 = %parallel_loop3A_107 to %parallel_loop3A_108 step %parallel_loop3A_109  : i32 {
        %parallel_loop3A_125 = vector.broadcast %parallel_loop3A_124 : i32 to vector<16xi32>
        %parallel_loop3A_126 = tpu.vector_load_idx %arg16[%parallel_loop3A_125] : memref<256xi32, #tpu.memory_space<vmem>>[vector<16xi32>], vector<16xi32>,
        %parallel_loop3A_127 = tpu.vector_load_idx %arg17[%parallel_loop3A_125] : memref<256xf32, #tpu.memory_space<vmem>>[vector<16xi32>], vector<16xf32>,
        %parallel_loop3A_128 = tpu.vector_load_idx %arg8[%parallel_loop3A_126, %add3A_24] : memref<53x64xf32, #tpu.memory_space<vmem>>[vector<16xi32>, vector<16xi32>], vector<16xf32>,
        %parallel_loop3A_129 = arith.mulf %parallel_loop3A_127, %get3A_3 : vector<16xf32>
        %parallel_loop3A_130 = arith.addf %parallel_loop3A_128, %parallel_loop3A_129 : vector<16xf32>
        %parallel_loop3A_131 = arith.index_cast %parallel_loop3A_124 : i32 to index
        %parallel_loop3A_132 = arith.constant 0 : index
        %parallel_loop3A_133 = tpu.vector_load %arg18[%parallel_loop3A_131, %parallel_loop3A_132] {strides = array<i32>} : memref<256x64xf32, #tpu.memory_space<vmem>>, vector<16xf32>,
        tpu.vector_store %arg18[%parallel_loop3A_131, %parallel_loop3A_132], %parallel_loop3A_130 {strides = array<i32>} : memref<256x64xf32, #tpu.memory_space<vmem>>, vector<16xf32>,
        %parallel_loop3A_134 = tpu.vector_load_idx %arg8[%parallel_loop3A_126, %add3A_28] : memref<53x64xf32, #tpu.memory_space<vmem>>[vector<16xi32>, vector<16xi32>], vector<16xf32>,
        %parallel_loop3A_135 = arith.mulf %parallel_loop3A_127, %get3A_5 : vector<16xf32>
        %parallel_loop3A_136 = arith.addf %parallel_loop3A_134, %parallel_loop3A_135 : vector<16xf32>
        %parallel_loop3A_137 = arith.index_cast %parallel_loop3A_124 : i32 to index
        %parallel_loop3A_138 = arith.constant 16 : index
        %parallel_loop3A_139 = tpu.vector_load %arg18[%parallel_loop3A_137, %parallel_loop3A_138] {strides = array<i32>} : memref<256x64xf32, #tpu.memory_space<vmem>>, vector<16xf32>,
        tpu.vector_store %arg18[%parallel_loop3A_137, %parallel_loop3A_138], %parallel_loop3A_136 {strides = array<i32>} : memref<256x64xf32, #tpu.memory_space<vmem>>, vector<16xf32>,
        %parallel_loop3A_140 = tpu.vector_load_idx %arg8[%parallel_loop3A_126, %add3A_32] : memref<53x64xf32, #tpu.memory_space<vmem>>[vector<16xi32>, vector<16xi32>], vector<16xf32>,
        %parallel_loop3A_141 = arith.mulf %parallel_loop3A_127, %get3A_7 : vector<16xf32>
        %parallel_loop3A_142 = arith.addf %parallel_loop3A_140, %parallel_loop3A_141 : vector<16xf32>
        %parallel_loop3A_143 = arith.index_cast %parallel_loop3A_124 : i32 to index
        %parallel_loop3A_144 = arith.constant 32 : index
        %parallel_loop3A_145 = tpu.vector_load %arg18[%parallel_loop3A_143, %parallel_loop3A_144] {strides = array<i32>} : memref<256x64xf32, #tpu.memory_space<vmem>>, vector<16xf32>,
        tpu.vector_store %arg18[%parallel_loop3A_143, %parallel_loop3A_144], %parallel_loop3A_142 {strides = array<i32>} : memref<256x64xf32, #tpu.memory_space<vmem>>, vector<16xf32>,
        %parallel_loop3A_146 = tpu.vector_load_idx %arg8[%parallel_loop3A_126, %add3A_36] : memref<53x64xf32, #tpu.memory_space<vmem>>[vector<16xi32>, vector<16xi32>], vector<16xf32>,
        %parallel_loop3A_147 = arith.mulf %parallel_loop3A_127, %get3A_9 : vector<16xf32>
        %parallel_loop3A_148 = arith.addf %parallel_loop3A_146, %parallel_loop3A_147 : vector<16xf32>
        %parallel_loop3A_149 = arith.index_cast %parallel_loop3A_124 : i32 to index
        %parallel_loop3A_150 = arith.constant 48 : index
        %parallel_loop3A_151 = tpu.vector_load %arg18[%parallel_loop3A_149, %parallel_loop3A_150] {strides = array<i32>} : memref<256x64xf32, #tpu.memory_space<vmem>>, vector<16xf32>,
        tpu.vector_store %arg18[%parallel_loop3A_149, %parallel_loop3A_150], %parallel_loop3A_148 {strides = array<i32>} : memref<256x64xf32, #tpu.memory_space<vmem>>, vector<16xf32>,
      } {sc.loop_unroll_factor = 16 : i64, sc.parallel_access}
      %mul3A_110 = arith.constant 256 : i32
      %mul3A_111 = arith.muli %add3A_94, %mul3A_110 : i32
      %add3A_112 = arith.addi %mul3A_2, %mul3A_111 : i32
      %dma_start3A_113 = arith.constant 0 : i32
      %dma_start3A_114 = tpu.memref_slice %arg7[%add3A_112, %dma_start3A_113] : memref<819200x64xf32, #tpu.memory_space<hbm>> -> memref<256x64xf32, #tpu.memory_space<hbm>>
      %dma_start3A_115 = arith.constant 0 : i32
      %dma_start3A_116 = tpu.memref_slice %arg7[%add3A_112, %dma_start3A_115] : memref<819200x64xf32, #tpu.memory_space<hbm>> -> memref<256x64xf32, #tpu.memory_space<hbm>>
      tpu.enqueue_dma source(%arg18 : memref<256x64xf32, #tpu.memory_space<vmem>>) target(%dma_start3A_116 : memref<256x64xf32, #tpu.memory_space<hbm>>) target_semaphore(%arg20 : memref<!tpu.dma_semaphore, #tpu.memory_space<semaphore_mem>>)
      %add3A_117 = arith.constant 2 : i32
      %add3A_118 = arith.addi %add3A_94, %add3A_117 : i32
      %lt3A_119 = arith.constant 100 : i32
      %lt3A_120 = arith.cmpi slt, %add3A_118, %lt3A_119 : i32
      %convert_element_type3A_121 = arith.extui %lt3A_120 : i1 to i32
      %cond3A_122 = arith.constant 0 : i32
      %cond3A_123 = arith.cmpi ne, %convert_element_type3A_121, %cond3A_122 : i32
      scf.if %cond3A_123 {
        %add3A_124 = arith.constant 2 : i32
        %add3A_125 = arith.addi %add3A_94, %add3A_124 : i32
        %mul3A_126 = arith.constant 256 : i32
        %mul3A_127 = arith.muli %add3A_125, %mul3A_126 : i32
        %add3A_128 = arith.addi %mul3A_2, %mul3A_127 : i32
        %dma_start3A_129 = tpu.memref_slice %arg2[%add3A_128] : memref<819200xi32, #tpu.memory_space<hbm>> -> memref<256xi32, #tpu.memory_space<hbm>>
        %dma_start3A_130 = tpu.memref_slice %arg2[%add3A_128] : memref<819200xi32, #tpu.memory_space<hbm>> -> memref<256xi32, #tpu.memory_space<hbm>>
        tpu.enqueue_dma source(%dma_start3A_130 : memref<256xi32, #tpu.memory_space<hbm>>) target(%arg16 : memref<256xi32, #tpu.memory_space<vmem>>) target_semaphore(%arg19 : memref<!tpu.dma_semaphore, #tpu.memory_space<semaphore_mem>>)
        %dma_start3A_131 = tpu.memref_slice %arg3[%add3A_128] : memref<819200xf32, #tpu.memory_space<hbm>> -> memref<256xf32, #tpu.memory_space<hbm>>
        %dma_start3A_132 = tpu.memref_slice %arg3[%add3A_128] : memref<819200xf32, #tpu.memory_space<hbm>> -> memref<256xf32, #tpu.memory_space<hbm>>
        tpu.enqueue_dma source(%dma_start3A_132 : memref<256xf32, #tpu.memory_space<hbm>>) target(%arg17 : memref<256xf32, #tpu.memory_space<vmem>>) target_semaphore(%arg19 : memref<!tpu.dma_semaphore, #tpu.memory_space<semaphore_mem>>)
      } else {
      }
    }
    %scan3A_52 = arith.constant 50 : i32
    %add3A_53 = arith.constant 25088 : i32
    %add3A_54 = arith.addi %mul3A_2, %add3A_53 : i32
    %dma_wait3A = arith.constant 0 : i32
    %dma_wait3A_55 = tpu.memref_slice %arg7[%add3A_54, %dma_wait3A] : memref<819200x64xf32, #tpu.memory_space<hbm>> -> memref<256x64xf32, #tpu.memory_space<hbm>>
    %dma_wait3A_56 = arith.constant 0 : i32
    %dma_wait3A_57 = tpu.memref_slice %arg7[%add3A_54, %dma_wait3A_56] : memref<819200x64xf32, #tpu.memory_space<hbm>> -> memref<256x64xf32, #tpu.memory_space<hbm>>
    tpu.wait_dma2 semaphore(%arg15 : memref<!tpu.dma_semaphore, #tpu.memory_space<semaphore_mem>>) src(%arg13 : memref<256x64xf32, #tpu.memory_space<vmem>>) dst(%dma_wait3A_57 : memref<256x64xf32, #tpu.memory_space<hbm>>)
    %add3A_58 = arith.constant 25344 : i32
    %add3A_59 = arith.addi %mul3A_2, %add3A_58 : i32
    %dma_wait3A_60 = arith.constant 0 : i32
    %dma_wait3A_61 = tpu.memref_slice %arg7[%add3A_59, %dma_wait3A_60] : memref<819200x64xf32, #tpu.memory_space<hbm>> -> memref<256x64xf32, #tpu.memory_space<hbm>>
    %dma_wait3A_62 = arith.constant 0 : i32
    %dma_wait3A_63 = tpu.memref_slice %arg7[%add3A_59, %dma_wait3A_62] : memref<819200x64xf32, #tpu.memory_space<hbm>> -> memref<256x64xf32, #tpu.memory_space<hbm>>
    tpu.wait_dma2 semaphore(%arg20 : memref<!tpu.dma_semaphore, #tpu.memory_space<semaphore_mem>>) src(%arg18 : memref<256x64xf32, #tpu.memory_space<vmem>>) dst(%dma_wait3A_63 : memref<256x64xf32, #tpu.memory_space<hbm>>)
    return
  }
}

</mosaic_0001>

<sc_bundles>
// kernel: kernel.3.cloned.1.call-start
scs
__scs_entry_jumppad:
0x0: {  	(pc) =	sbr.rel $0x88, $3  }
0x1: {  	(tag) =	ssettag $0x0;
	lr =	simm.s32 $0x1  }
0x2: {  	[smem:$0x3F9C] =	sst lr;
	_ =	strace $0xD0000000  }
0x3: {  	_ = 	snop  }
0x4: {  	_ = 	snop  }
0x5: {  	_ = 	snop  }
0x6: {  	_ = 	snop  }
0x7: {  	_ = 	snop  }
__scs_overlays_trampoline_lowered:
0x8: {  	[smem:$0x3FAB] =	sst s0  }
0x9: {  	[smem:$0x3FAC] =	sst s1  }
0xa: {  	[smem:$0x3FAD] =	sst s2  }
0xb: {  	[smem:$0x3FAE] =	sst s3  }
0xc: {  	[smem:$0x3FAF] =	sst s4  }
0xd: {  	[smem:$0x3FB0] =	sst s5  }
0xe: {  	[smem:$0x3FB1] =	sst s6  }
0xf: {  	[smem:$0x3FB2] =	sst s7  }
0x10: {  	[smem:$0x3FB3] =	sst s8  }
0x11: {  	[smem:$0x3FB4] =	sst s9;
	s0 =	simm.s32 @!p0 $0x0  }
0x12: {  	s1 =	sld [smem:$0x3F9A];
	s0 =	simm.s32 @p0 $0x1  }
0x13: {  	[smem:$0x3FB5] =	sst s0;
	s0 =	simm.s32 @!p1 $0x0  }
0x14: {  	s2 =	sld [smem:$0x3F99];
	s0 =	simm.s32 @p1 $0x1  }
0x15: {  	[smem:$0x3FB6] =	sst s0;
	s0 =	simm.s32 @!p2 $0x0  }
0x16: {  	s3 =	sld [smem:$0x3FDB];
	s0 =	simm.s32 @p2 $0x1  }
0x17: {  	s4 =	simm.s32 $0x1BF5;
	[smem:$0x3FB8] =	sst s0  }
0x18: {  	s0 =	sld [smem:$0x3F9B];
	_ =	swait.ge [sflag:s4], $0x0  }
0x19: {  	s7 =	sld [smem:$0x3F9C]  }
0x1a: {  	s8 =	sadd.s32 $0xFFFFE003, lr  }
0x1b: {  	s9 =	sadd.s32 $0xFFFFFEF7, lr;
	s5 =	simm.s32 $0xFFFFFFFF;
	p2 =	slt.u32 s8, $0xFFFFF086  }
0x1c: {  	p1 =	slt.u32 s9, $0xF7A;
	s5 =	simm.s32 @!p2 $0x0  }
0x1d: {  	s5 =	simm.s32 @p1 $0x1;
	p0 =	seq.s32 s7, s2  }
0x1e: {  	s7 =	smul.u32 @!p0 $0xF7A, s2;
	p2 =	seq.s32 @!p0 s5, $0x0  }
0x1f: {  	s9 =	smul.u32 $0xF7A, s1;
	s8 =	simm.s32 @!p0 $0x1BF5;
	p2 =	por !p2, p0  }
0x20: {  	[sflag:s8] =	ssyncset.s32 @!p0 $0xFFFFF086;
	s6 =	sadd.s32 @!p0 s3, s7;
	s7 =	simm.s32 @!p0 $0x108  }
0x21: {  	s3 =	sadd.s32 s3, s9;
	s6 =	sadd.s32 @!p0 $0x88, s6;
	s7 =	simm.s32 @p2 $0x1082  }
0x22: {  	[simem:s7], [sflag:s8] =	dma.local @!p0 [hbm:s6], $0xF7A  }
0x23: {  	s9 =	sor.u32 $0xD0000000, s2;
	s6 =	simm.s32 $0x108;
	_ =	swait.ge @!p0 [sflag:s8], $0x0  }
0x24: {  	s3 =	sadd.s32 $0x88, s3;
	s6 =	simm.s32 @!p1 $0x1082;
	[sflag:s4] =	ssyncset.s32 $0xFFFFF086  }
0x25: {  	[simem:s6], [sflag:s4] =	dma.local [hbm:s3], $0xF7A  }
0x26: {  	[smem:$0x3F9C] =	sst s1;
	(tag) =	ssettag s2;
	_ =	strace s9  }
0x27: {  	s1 =	sld [smem:$0x3FAC]  }
0x28: {  	s2 =	sld [smem:$0x3FAD]  }
0x29: {  	s4 =	sld [smem:$0x3FAF]  }
0x2a: {  	p0 =	seq.s32 s5, $0x0;
	s5 =	sld [smem:$0x3FB0]  }
0x2b: {  	s6 =	sld [smem:$0x3FB1]  }
0x2c: {  	s7 =	sld [smem:$0x3FB2]  }
0x2d: {  	s3 =	simm.s32 $0x108;
	s8 =	sld [smem:$0x3FB3]  }
0x2e: {  	s3 =	simm.s32 @!p0 $0x1082;
	s9 =	sld [smem:$0x3FB4]  }
0x2f: {  	lr =	sadd.s32 s0, s3;
	s0 =	sld [smem:$0x3FAB]  }
0x30: {  	s3 =	sld [smem:$0x3FAE]  }
0x31: {  	[smem:$0x3FB7] =	sst s10  }
0x32: {  	s10 =	sld [smem:$0x3FB5];
	_ =	sdelay $0x3  }
0x33: {  	p0 =	seq.s32 s10, $0x1;
	s10 =	sld [smem:$0x3FB7];
	_ =	sdelay $0x3  }
0x34: {  	[smem:$0x3FB7] =	sst s10  }
0x35: {  	s10 =	sld [smem:$0x3FB6];
	_ =	sdelay $0x3  }
0x36: {  	p1 =	seq.s32 s10, $0x1;
	s10 =	sld [smem:$0x3FB7];
	_ =	sdelay $0x3  }
0x37: {  	[smem:$0x3FB7] =	sst s10  }
0x38: {  	s10 =	sld [smem:$0x3FB8]  }
0x39: {  	_ = 	snop;
	(pc) =	sbr.ind lr, $3  }
0x3a: {  	_ = 	snop  }
0x3b: {  	_ = 	snop  }
0x3c: {  	p2 =	seq.s32 s10, $0x1;
	s10 =	sld [smem:$0x3FB7]  }
0x3d: {  	_ =	shalt  }
0x3e: {  	_ =	shalt  }
0x3f: {  	_ =	shalt  }
0x40: {  	_ =	shalt  }
0x41: {  	_ =	shalt  }
0x42: {  	_ =	shalt  }
0x43: {  	_ =	shalt  }
0x44: {  	_ =	shalt  }
0x45: {  	_ =	shalt  }
0x46: {  	_ =	shalt  }
0x47: {  	_ =	shalt  }
0x48: {  	_ =	shalt  }
0x49: {  	_ =	shalt  }
0x4a: {  	_ =	shalt  }
0x4b: {  	_ =	shalt  }
0x4c: {  	_ =	shalt  }
0x4d: {  	_ =	shalt  }
0x4e: {  	_ =	shalt  }
0x4f: {  	_ =	shalt  }
0x50: {  	_ =	shalt  }
0x51: {  	_ =	shalt  }
0x52: {  	_ =	shalt  }
0x53: {  	_ =	shalt  }
0x54: {  	_ =	shalt  }
0x55: {  	_ =	shalt  }
0x56: {  	_ =	shalt  }
0x57: {  	_ =	shalt  }
0x58: {  	_ =	shalt  }
0x59: {  	_ =	shalt  }
0x5a: {  	_ =	shalt  }
0x5b: {  	_ =	shalt  }
0x5c: {  	_ =	shalt  }
0x5d: {  	_ =	shalt  }
0x5e: {  	_ =	shalt  }
0x5f: {  	_ =	shalt  }
0x60: {  	_ =	shalt  }
0x61: {  	_ =	shalt  }
0x62: {  	_ =	shalt  }
0x63: {  	_ =	shalt  }
0x64: {  	_ =	shalt  }
0x65: {  	_ =	shalt  }
0x66: {  	_ =	shalt  }
0x67: {  	_ =	shalt  }
0x68: {  	_ =	shalt  }
0x69: {  	_ =	shalt  }
0x6a: {  	_ =	shalt  }
0x6b: {  	_ =	shalt  }
0x6c: {  	_ =	shalt  }
0x6d: {  	_ =	shalt  }
0x6e: {  	_ =	shalt  }
0x6f: {  	_ =	shalt  }
0x70: {  	_ =	shalt  }
0x71: {  	_ =	shalt  }
0x72: {  	_ =	shalt  }
0x73: {  	_ =	shalt  }
0x74: {  	_ =	shalt  }
0x75: {  	_ =	shalt  }
0x76: {  	_ =	shalt  }
0x77: {  	_ =	shalt  }
0x78: {  	_ =	shalt  }
0x79: {  	_ =	shalt  }
0x7a: {  	_ =	shalt  }
0x7b: {  	_ =	shalt  }
0x7c: {  	_ =	shalt  }
0x7d: {  	_ =	shalt  }
0x7e: {  	_ =	shalt  }
0x7f: {  	_ =	shalt  }
0x80: {  	_ =	shalt  }
0x81: {  	_ =	shalt  }
0x82: {  	_ =	shalt  }
0x83: {  	_ =	shalt  }
0x84: {  	_ =	shalt  }
0x85: {  	_ =	shalt  }
0x86: {  	_ =	shalt  }
0x87: {  	_ =	shalt  }
.Lfunc_end0:
.L_simem_size_0:
called_computation.1_lowered:
.L_overlay_start_0:
0x88: {  	s2 =	sld [smem:$0x3FD9]  }
0x89: {  	s3 =	sld [smem:$0x3FFE];
	_ =	sdelay $0x1  }
0x8a: {  	s1 =	srdreg.scid  }
0x8b: {  	s0 =	sand.u32 $0x1, s1  }
0x8c: {  	s17 =	sshll.u32 s0, $0xA;
	s2 =	sadd.s32 s3, s2  }
0x8d: {  	s2 =	sadd.s32 s2, s17  }
0x8e: {  	[smem:$0x3FC3] =	sst s2  }
0x8f: {  	_ = 	snop  }
0x90: {  	s2 =	sld [smem:$0x3FC7]  }
0x91: {  	s18 =	sld [smem:$0x3FC6]  }
0x92: {  	s4 =	sld [smem:$0x3FC5]  }
0x93: {  	s5 =	sld [smem:$0x3FD0];
	(tm) =	ssettm $0x1  }
0x94: {  	s6 =	sld [smem:$0x3FFB];
	_ =	sdelay $0x3  }
0x95: {  	_ =	strace s6  }
0x96: {  	s6 =	sld [smem:$0x3FFC];
	_ =	sdelay $0x3  }
0x97: {  	_ =	strace s6  }
0x98: {  	s6 =	sld [smem:$0x3FFD];
	_ =	sdelay $0x3  }
0x99: {  	_ =	strace s6  }
0x9a: {  	_ =	strace $0x8FFFFFFF  }
0x9b: {  	s19 =	sld [smem:$0x3FDB];
	_ =	sdelay $0x1  }
0x9c: {  	s7 =	simm.s32 $_scs_section_size  }
0x9d: {  	s8 =	simm.s32 $_size__tile_overlayer_lowered;
	s9 =	simm.s32 $_tile_overlayer_lowered  }
0x9e: {  	s22 =	simm.s32 $0x1BFF;
	s21 =	sshll.u32 s9, $0x1;
	s6 =	sadd.s32 s7, s19  }
0x9f: {  	s10 =	simm.s32 $0x0;
	s20 =	sshll.u32 s8, $0x1;
	s8 =	sadd.s32 s21, s6  }
0xa0: {  	[timem:s10], [sflag:s22] =	dma.local [hbm:s8], s20  }
0xa1: {  	_ =	swait.ge [sflag:s22], s20  }
0xa2: {  	s7 =	ssub.s32 $0x0, s20;
	[sflag:s22] =	ssyncset.done $0x0  }
0xa3: {  	[sflag:s22] =	ssyncadd.s32 s7;
	_ =	sdelay $0x1  }
0xa4: {  	s23 =	simm.s32 $0x1B8B  }
0xa5: {  	_ =	swait.ge [sflag:s23], $0x1  }
0xa6: {  	[sflag:s23] =	ssyncset.done $0x0  }
0xa7: {  	s25 =	simm.s32 $0x1B8E;
	s24 =	sld [smem:$0x3FFE];
	[sflag:s23] =	ssyncadd.s32 $0xFFFFFFFF  }
0xa8: {  	s26 =	simm.s32 $execute0_lowered;
	[smem:$0x3FD2] =	sst s25  }
0xa9: {  	s8 =	sshll.u32 s26, $0x1;
	_ =	strace $0x80000046;
	[dreg:$0x1] =	wrdreg $0xFFFFFFFF  }
0xaa: {  	s28 =	simm.s32 $_size_execute0_lowered;
	s6 =	sadd.s32 s6, s8;
	[dreg:$0x0] =	wrdreg $0x0  }
0xab: {  	s8 =	sshll.u32 s28, $0x1;
	[dreg:$0x2] =	wrdreg s6  }
0xac: {  	[dreg:$0x3] =	wrdreg s8  }
0xad: {  	[dreg:$0x4] =	wrdreg $0xC0  }
0xae: {  	_ =	task [dreg:s10], $0x5FFFF  }
0xaf: {  	[dreg:$0x1] =	wrdreg $0xFFFFFFFF  }
0xb0: {  	[dreg:$0x0] =	wrdreg $0x60  }
0xb1: {  	[dreg:$0x2] =	wrdreg s5  }
0xb2: {  	[dreg:$0x3] =	wrdreg s24  }
0xb3: {  	[dreg:$0x4] =	wrdreg s2  }
0xb4: {  	[dreg:$0x5] =	wrdreg s18  }
0xb5: {  	[dreg:$0x6] =	wrdreg s4  }
0xb6: {  	[dreg:$0x7] =	wrdreg $0x9  }
0xb7: {  	_ =	task.clear_ibuf [dreg:s10], $0x8FFFF;
	_ =	strace $0x90000046  }
0xb8: {  	s29 =	simm.s32 $0x9;
	_ =	strace $0x80000048  }
0xb9: {  	_ =	swait.ge [sflag:s29], $0x1  }
0xba: {  	[sflag:s29] =	ssyncadd.s32 $0xFFFFFFFF  }
0xbb: {  	_ =	strace $0x90000048  }
0xbc: {  	_ =	sfence  }
0xbd: {  	s30 =	sld [smem:$0x0];
	_ =	sdelay $0x2  }
0xbe: {  	s31 =	sshll.u32 s1, $0xD;
	s1 =	sshrl.u32 s1, $0x2  }
0xbf: {  	s3 =	sand.u32 $0x4000, s31;
	s1 =	sadd.s32 s1, s30  }
0xc0: {  	s0 =	sor.u32 s3, s0;
	s1 =	sshll.u32 s1, $0x11  }
0xc1: {  	s0 =	sor.u32 s1, s0  }
0xc2: {  	s0 =	sadd.s32 $0x8F2B, s0  }
0xc3: {  	[sflag:s0] =	ssyncadd.remote.s32 $0x1  }
0xc4: {  	_ =	sfence.sel $0xFFFF  }
0xc5: {  	[dreg:$0x0] =	wrdreg $0xFFFFFFFF;
	(pc) =	sbr.abs _section_cstart, $3  }
0xc6: {  	[dreg:$0x1] =	wrdreg $0xFFFFFFFF  }
0xc7: {  	_ =	task.clear_ibuf [dreg:s10], $0x2FFFF;
	_ =	strace $0x9FFFFFFF  }
0xc8: {  	(tm) =	ssettm $0x7FFFFFFF  }
0xc9: {  	_ =	shalt  }
tec
execute0_lowered:
.L_overlay_start_1:
0x0: {  	(tag) =	ssettag $0x1  }
0x1: {  	s0 =	rddreg [dreg:$0x0]  }
0x2: {  	s1 =	rddreg [dreg:$0x1]  }
0x3: {  	s2 =	srdreg.scid;
	s3 =	stileid.u32;
	s6 =	simm.s32 $0x0  }
0x4: {  	s19 =	simm.s32 $0x5;
	s21 =	simm.s32 $0x1D00;
	s22 =	simm.s32 $0x1E00  }
0x5: {  	s23 =	simm.s32 $0x9F00;
	s28 =	simm.s32 $0x3;
	s29 =	simm.s32 $0xA100  }
0x6: {  	s30 =	simm.s32 $0x2;
	s31 =	simm.s32 $0x4;
	s2 =	sand.u32 $0x1, s2  }
0x7: {  	s3 =	sshll.u32 s3, $0x1;
	[smem:$0x7FF] =	sst s6;
	s7 =	sadd.s32 $0xA00, s1  }
0x8: {  	s8 =	sadd.s32 $0x19A00, s1;
	s3 =	sor.u32 s2, s3;
	s2 =	ssub.s32 $0x2, s2  }
0x9: {  	_ =	strace $0x80000047;
	s4 =	smul.u32 $0x6400, s3;
	s5 =	sshrl.u32 s2, $0x1  }
0xa: {  	s13 =	smul.u32 $0x320000, s3;
	s3 =	simm.s32 $0x0;
	s24 =	ssub.s32 s2, s5  }
.Ltmp0:
0xb: {  	v62 =	vlaneseq.u32;
	s25 =	sshrl.u32 s4, $0x3;
	s14 =	sor.u32 $0x200, s4;
	(pc) =	sbr.rel .LBB2_1-.Ltmp0, $4  }
0xc: {  	v4 =	vor.u32 $0x10, v62;
	s15 =	sor.u32 $0x100, s4;
	s16 =	sor.u32 $0x300, s4;
	s17 =	smax.u32 s24, $0x1  }
0xd: {  	v61 =	vor.u32 $0x20, v62;
	[tilespmem:$0x1FFD0] =	vst v4;
	s24 =	simm.s32 $0xA000;
	s26 =	sadd.s32 s0, s25;
	s10 =	sadd.s32 s7, s25  }
0xe: {  	v56 =	vor.u32 $0x30, v62;
	[tilespmem:$0x1FFE0] =	vst v61;
	s2 =	sor.u32 $0x20, s25;
	s25 =	simm.s32 $0x1;
	[dreg:$0x6] =	wrdreg s26  }
0xf: {  	[tilespmem:$0x1FFF0] =	vst v56;
	s11 =	sadd.s32 s0, s2;
	s12 =	sadd.s32 s7, s2;
	s26 =	simm.s32 $0x1F00  }
.LBB2_10:
0x10: {  	s3 =	sadd.s32 $0x1, s3  }
0x11: {  	_ =	swait.ge [sflag:s30], $0x8000;
	p0 =	sne.s32 s3, s17  }
.Ltmp1:
0x12: {  	[sflag:s30] =	ssyncset.done $0x0;
	(pc) =	sbr.rel @!p0 .LBB2_11-.Ltmp1, $4  }
0x13: {  	[sflag:s30] =	ssyncadd.s32 $0xFFFF8000  }
0x14: {  	_ =	swait.ge [sflag:s31], $0x8000  }
0x15: {  	[sflag:s31] =	ssyncset.done $0x0  }
0x16: {  	[sflag:s31] =	ssyncadd.s32 $0xFFFF8000  }
.LBB2_1:
0x17: {  	s1 =	rddreg [dreg:$0x3];
	s2 =	simm.s32 $0x1C00  }
0x18: {  	[tilespmem:s2], [sflag:$0x5] =	stream.linear.gather [hbm4b:s1+s6], $0x80, $0x38;
	[tilespmem:$0x12100] =	vst v63  }
0x19: {  	_ =	swait.ge [sflag:s19], $0x80  }
0x1a: {  	[sflag:s19] =	ssyncset.done $0x0  }
0x1b: {  	[sflag:s19] =	ssyncadd.s32 $0xFFFFFF80  }
0x1c: {  	s18 =	simm.s32 $0x1C80;
	s9 =	rddreg [dreg:$0x4]  }
0x1d: {  	[tilespmem:s18], [sflag:$0x5] =	stream.linear.gather [hbm4b:s9+s6], $0x80, $0x38;
	[tilespmem:$0x12100] =	vst v63  }
0x1e: {  	_ =	swait.ge [sflag:s19], $0x80  }
0x1f: {  	[sflag:s19] =	ssyncset.done $0x0  }
0x20: {  	[sflag:s19] =	ssyncadd.s32 $0xFFFFFF80  }
0x21: {  	s20 =	rddreg [dreg:$0x2]  }
0x22: {  	[tilespmem:s6], [sflag:$0x5] =	stream.linear.gather [hbm4b:s20+s6], $0x1A80, $0x38;
	[tilespmem:$0x12100] =	vst v63  }
0x23: {  	_ =	swait.ge [sflag:s19], $0x1A80  }
0x24: {  	[sflag:s19] =	ssyncset.done $0x0  }
0x25: {  	[sflag:s19] =	ssyncadd.s32 $0xFFFFE580  }
0x26: {  	v55 =	vld [tilespmem:$0x1C00]  }
0x27: {  	v5 =	vld [tilespmem:$0x1C10]  }
0x28: {  	v6 =	vld [tilespmem:$0x1C20]  }
0x29: {  	v7 =	vld [tilespmem:$0x1C30]  }
0x2a: {  	v9 =	vld [tilespmem:$0x1C80]  }
0x2b: {  	v10 =	vld [tilespmem:$0x1C90]  }
0x2c: {  	v8 =	vld [tilespmem:$0x1CA0]  }
0x2d: {  	s1 =	simm.s32 $0x0;
	v0 =	vld [tilespmem:$0x1CB0]  }
0x2e: {  	v11 =	vld [tilespmem:s1+$0x0]  }
0x2f: {  	v13 =	vld [tilespmem:s1+$0x10]  }
0x30: {  	s2 =	simm.s32 $0x200;
	v12 =	vld [tilespmem:s1+$0x20]  }
.LBB2_2:
0x31: {  	p0 =	sne.s32 s2, $0x6800;
	v14 =	vld [tilespmem:s1+$0x30];
	_ =	sdelay $0x1  }
0x32: {  	v11 =	vadd.f32 v11, v9  }
.Ltmp2:
0x33: {  	v13 =	vadd.f32 v13, v10;
	(pc) =	sbr.rel @p0 .LBB2_2-.Ltmp2, $4  }
0x34: {  	s4 =	sshra.s32 s2, $0x2;
	[tilespmem:s1+$0x0] =	vst v11;
	v12 =	vadd.f32 v12, v8  }
0x35: {  	v11 =	vld [tilespmem:s4+$0x0];
	[tilespmem:s1+$0x10] =	vst v13;
	v14 =	vadd.f32 v14, v0  }
0x36: {  	v13 =	vld [tilespmem:s4+$0x10];
	[tilespmem:s1+$0x20] =	vst v12  }
0x37: {  	s2 =	sadd.s32 $0x200, s2;
	v12 =	vld [tilespmem:s4+$0x20];
	[tilespmem:s1+$0x30] =	vst v14;
	s1 =	smov.u32 s4  }
0x38: {  	v14 =	vld [tilespmem:s1+$0x30];
	_ =	sdelay $0x1  }
0x39: {  	v9 =	vadd.f32 v11, v9  }
0x3a: {  	v10 =	vadd.f32 v13, v10  }
0x3b: {  	[tilespmem:s1+$0x0] =	vst v9;
	v8 =	vadd.f32 v12, v8  }
0x3c: {  	[tilespmem:s1+$0x10] =	vst v10;
	v0 =	vadd.f32 v14, v0  }
0x3d: {  	[tilespmem:s1+$0x20] =	vst v8  }
0x3e: {  	s2 =	rddreg [dreg:$0x6];
	[tilespmem:s1+$0x30] =	vst v0;
	s1 =	simm.s32 $0x0  }
0x3f: {  	[tilespmem:s21], [sflag:$0x1] =	stream.linear.gather [hbm4b:s2+s1], $0x100, $0x38;
	[tilespmem:$0x12100] =	vst v63  }
0x40: {  	_ = 	snop  }
0x41: {  	[tilespmem:s22], [sflag:$0x1] =	stream.linear.gather [hbm4b:s10+s1], $0x100, $0x38;
	[tilespmem:$0x12100] =	vst v63  }
0x42: {  	_ = 	snop  }
0x43: {  	[tilespmem:s23], [sflag:$0x3] =	stream.linear.gather [hbm4b:s11+s1], $0x100, $0x38;
	[tilespmem:$0x12100] =	vst v63  }
0x44: {  	[tilespmem:$0x1FFC0] =	vst v55;
	s2 =	simm.s32 $0x0  }
0x45: {  	[tilespmem:s24], [sflag:$0x3] =	stream.linear.gather [hbm4b:s12+s1], $0x100, $0x38;
	[tilespmem:$0x12100] =	vst v63  }
.LBB2_4:
0x46: {  	_ =	swait.ge [sflag:s25], $0x100  }
0x47: {  	[sflag:s25] =	ssyncset.done $0x0  }
0x48: {  	[sflag:s25] =	ssyncadd.s32 $0xFFFFFF00  }
0x49: {  	v0 =	vmov s1;
	s4 =	simm.s32 $0xF;
	_ =	swait.ge [sflag:s25], $0x100  }
0x4a: {  	p0 =	seq.s32 s2, $0x0;
	s20 =	simm.s32 $0x1;
	v8 =	vmov s4;
	v0 =	vand.u32 $0xFFFFFFF0, v0;
	[sflag:s25] =	ssyncset.done $0x0  }
0x4b: {  	s9 =	simm.s32 $0x2;
	s5 =	simm.s32 @!p0 $0x2;
	v9 =	vmov s20;
	v0 =	vbroadcast v0, $0x0;
	[sflag:s25] =	ssyncadd.s32 $0xFFFFFF00  }
0x4c: {  	s18 =	simm.s32 $0x3;
	v10 =	vmov s9;
	v9 =	vand.u32 $0xFFFFFFF1, v9;
	_ =	swait.ge @!p0 [sflag:s5], $0x8000  }
0x4d: {  	v11 =	vmov s18;
	v10 =	vand.u32 $0xFFFFFFF2, v10;
	v18 =	vbroadcast v9, $0x0;
	[sflag:s5] =	ssyncset.done @!p0 $0x0  }
0x4e: {  	v11 =	vand.u32 $0xFFFFFFF3, v11;
	v19 =	vbroadcast v10, $0x0;
	[sflag:s5] =	ssyncadd.s32 @!p0 $0xFFFF8000  }
0x4f: {  	v20 =	vbroadcast v11, $0x0;
	v40 =	vld.idx.msk [tilespmem:v8+s22+$0x0], $0xffff  }
0x50: {  	s20 =	simm.s32 $0x4;
	v25 =	vld.idx.msk [tilespmem:v8+s21+$0x0], $0xffff  }
0x51: {  	s9 =	simm.s32 $0x6;
	v50 =	vmov s20;
	v11 =	vld.idx.msk [tilespmem:v0+s22+$0x0], $0xffff  }
0x52: {  	v51 =	vmov s9;
	v9 =	vand.u32 $0xFFFFFFF4, v50;
	v0 =	vld.idx.msk [tilespmem:v0+s21+$0x0], $0xffff  }
0x53: {  	s9 =	simm.s32 $0xA;
	v52 =	vand.u32 $0xFFFFFFF6, v51;
	v24 =	vbroadcast v9, $0x0;
	v36 =	vld.idx.msk [tilespmem:v18+s22+$0x0], $0xffff  }
0x54: {  	v56 =	vmov s9;
	s9 =	simm.s32 $0xE;
	v27 =	vbroadcast v52, $0x0;
	v21 =	vld.idx.msk [tilespmem:v19+s22+$0x0], $0xffff  }
0x55: {  	v37 =	vmov s9;
	s5 =	simm.s32 $0x5;
	v22 =	vld.idx.msk [tilespmem:v20+s22+$0x0], $0xffff  }
0x56: {  	s18 =	simm.s32 $0x7;
	v37 =	vand.u32 $0xFFFFFFFE, v37;
	v12 =	vmov s5;
	v18 =	vld.idx.msk [tilespmem:v18+s21+$0x0], $0xffff  }
0x57: {  	v37 =	vbroadcast v37, $0x0;
	v8 =	vmov s18;
	v38 =	vld.idx.msk [tilespmem:v19+s21+$0x0], $0xffff;
	v12 =	vand.u32 $0xFFFFFFF5, v12  }
0x58: {  	v39 =	vld.idx.msk [tilespmem:v20+s21+$0x0], $0xffff;
	v8 =	vand.u32 $0xFFFFFFF7, v8;
	v26 =	vbroadcast v12, $0x0  }
0x59: {  	s20 =	simm.s32 $0x8;
	v23 =	vld.idx.msk [tilespmem:v24+s22+$0x0], $0xffff;
	v28 =	vbroadcast v8, $0x0  }
0x5a: {  	v53 =	vmov s20;
	v17 =	vld.idx.msk [tilespmem:v27+s22+$0x0], $0xffff  }
0x5b: {  	v24 =	vld.idx.msk [tilespmem:v24+s21+$0x0], $0xffff;
	v8 =	vand.u32 $0xFFFFFFF8, v53  }
0x5c: {  	s5 =	simm.s32 $0x9;
	v27 =	vld.idx.msk [tilespmem:v27+s21+$0x0], $0xffff;
	v29 =	vbroadcast v8, $0x0  }
0x5d: {  	v54 =	vmov s5;
	v20 =	vld.idx.msk [tilespmem:v37+s21+$0x0], $0xffff  }
0x5e: {  	v8 =	vand.u32 $0xFFFFFFF9, v54;
	v32 =	vld.idx.msk [tilespmem:v26+s22+$0x0], $0xffff  }
0x5f: {  	s18 =	simm.s32 $0xB;
	v30 =	vbroadcast v8, $0x0;
	v16 =	vld.idx.msk [tilespmem:v28+s22+$0x0], $0xffff  }
0x60: {  	s20 =	simm.s32 $0xC;
	v57 =	vmov s18;
	v8 =	vand.u32 $0xFFFFFFFA, v56;
	v26 =	vld.idx.msk [tilespmem:v26+s21+$0x0], $0xffff  }
0x61: {  	v58 =	vmov s20;
	v31 =	vbroadcast v8, $0x0;
	v8 =	vand.u32 $0xFFFFFFFB, v57;
	v43 =	vld.idx.msk [tilespmem:v28+s21+$0x0], $0xffff  }
0x62: {  	s5 =	simm.s32 $0xD;
	v33 =	vbroadcast v8, $0x0;
	v8 =	vand.u32 $0xFFFFFFFC, v58;
	v15 =	vld.idx.msk [tilespmem:v29+s22+$0x0], $0xffff  }
0x63: {  	v59 =	vmov s5;
	v34 =	vbroadcast v8, $0x0;
	v44 =	vld.idx.msk [tilespmem:v29+s21+$0x0], $0xffff  }
0x64: {  	v8 =	vand.u32 $0xFFFFFFFD, v59;
	v29 =	vshll.u32 v18, $0x7;
	v18 =	vshll.u32 v0, $0x7;
	v0 =	vld [tilespmem:$0x1FFC0]  }
0x65: {  	v35 =	vbroadcast v8, $0x0;
	v14 =	vld.idx.msk [tilespmem:v30+s22+$0x0], $0xffff  }
0x66: {  	v45 =	vld.idx.msk [tilespmem:v30+s21+$0x0], $0xffff  }
0x67: {  	v13 =	vld.idx.msk [tilespmem:v31+s22+$0x0], $0xffff  }
0x68: {  	v42 =	vshll.u32 v20, $0x7;
	v9 =	vld.idx.msk [tilespmem:v33+s22+$0x0], $0xffff  }
0x69: {  	v1 =	vmul.f32 v40, v5;
	v60 =	vor.u32 v62, v42;
	v12 =	vld.idx.msk [tilespmem:v34+s22+$0x0], $0xffff  }
0x6a: {  	v30 =	vshll.u32 v24, $0x7;
	v24 =	vshll.u32 v43, $0x7;
	v43 =	vmul.f32 v36, v0;
	v0 =	vld [tilespmem:$0x1FFC0]  }
0x6b: {  	v10 =	vld.idx.msk [tilespmem:v35+s22+$0x0], $0xffff;
	[tilespmem:$0x1FEF0] =	vst v1  }
0x6c: {  	v48 =	vld.idx.msk [tilespmem:v33+s21+$0x0], $0xffff  }
0x6d: {  	v33 =	vshll.u32 v38, $0x7;
	v38 =	vld.idx.msk [tilespmem:v34+s21+$0x0], $0xffff  }
0x6e: {  	v34 =	vld.idx.msk [tilespmem:v60+s6+$0x0], $0xffff  }
0x6f: {  	v60 =	vmul.f32 v21, v0;
	v0 =	vld [tilespmem:$0x1FFC0];
	_ =	sdelay $0x1  }
0x70: {  	v28 =	vshll.u32 v25, $0x7  }
0x71: {  	v4 =	vld [tilespmem:$0x1FFD0];
	v25 =	vor.u32 v62, v28  }
0x72: {  	v47 =	vor.u32 v62, v29;
	v41 =	vld.idx.msk [tilespmem:v37+s22+$0x0], $0xffff  }
0x73: {  	v61 =	vmul.f32 v22, v0;
	v0 =	vld [tilespmem:$0x1FFC0]  }
0x74: {  	v46 =	vld.idx.msk [tilespmem:v31+s21+$0x0], $0xffff  }
0x75: {  	v51 =	vld.idx.msk [tilespmem:v35+s21+$0x0], $0xffff;
	v50 =	vor.u32 v62, v33  }
0x76: {  	v35 =	vshll.u32 v39, $0x7;
	v54 =	vld.idx.msk [tilespmem:v25+s6+$0x0], $0xffff;
	v37 =	vor.u32 v62, v30  }
0x77: {  	v31 =	vshll.u32 v26, $0x7;
	v47 =	vld.idx.msk [tilespmem:v47+s6+$0x0], $0xffff;
	v39 =	vor.u32 v62, v35  }
0x78: {  	v25 =	vshll.u32 v27, $0x7;
	v26 =	vshll.u32 v44, $0x7;
	v44 =	vmul.f32 v41, v0;
	v0 =	vld [tilespmem:$0x1FFC0]  }
0x79: {  	v3 =	vld [tilespmem:$0x1FFC0];
	v59 =	vor.u32 v62, v25  }
0x7a: {  	v50 =	vld.idx.msk [tilespmem:v50+s6+$0x0], $0xffff  }
0x7b: {  	v57 =	vor.u32 v62, v31;
	v37 =	vld.idx.msk [tilespmem:v37+s6+$0x0], $0xffff;
	v44 =	vadd.f32 v44, v34  }
0x7c: {  	s5 =	simm.s32 $0x2300;
	v1 =	vor.u32 v62, v24;
	v43 =	vadd.f32 v43, v47;
	v39 =	vld.idx.msk [tilespmem:v39+s6+$0x0], $0xffff  }
0x7d: {  	v53 =	vor.u32 v62, v18;
	v62 =	vmul.f32 v23, v0;
	v0 =	vld [tilespmem:$0x1FFC0];
	[tilespmem:s5+$0x300] =	vst v44  }
0x7e: {  	v59 =	vld.idx.msk [tilespmem:v59+s6+$0x0], $0xffff;
	[tilespmem:s5+$0xFFFFFC80] =	vst v43  }
0x7f: {  	v50 =	vadd.f32 v60, v50;
	v60 =	vmul.f32 v17, v3;
	v3 =	vld [tilespmem:$0x1FFC0]  }
0x80: {  	v27 =	vshll.u32 v45, $0x7;
	v45 =	vld.idx.msk [tilespmem:v57+s6+$0x0], $0xffff  }
0x81: {  	v2 =	vlaneseq.u32;
	v1 =	vld.idx.msk [tilespmem:v1+s6+$0x0], $0xffff;
	v39 =	vadd.f32 v61, v39  }
0x82: {  	v47 =	vor.u32 v2, v27;
	v34 =	vshll.u32 v46, $0x7;
	[tilespmem:s5+$0xFFFFFD00] =	vst v50  }
0x83: {  	v61 =	vor.u32 v2, v34;
	[tilespmem:s5+$0xFFFFFD80] =	vst v39;
	v37 =	vadd.f32 v62, v37;
	v8 =	vmul.f32 v32, v0  }
0x84: {  	v39 =	vadd.f32 v60, v59;
	v0 =	vor.u32 v2, v26;
	v2 =	vld [tilespmem:$0x1FFC0];
	v43 =	vmul.f32 v16, v3  }
0x85: {  	[tilespmem:s5+$0xFFFFFE00] =	vst v37;
	v8 =	vadd.f32 v8, v45  }
0x86: {  	[tilespmem:s5+$0xFFFFFF00] =	vst v39;
	v43 =	vadd.f32 v43, v1  }
0x87: {  	v57 =	vor.u32 v4, v42;
	[tilespmem:s5+$0xFFFFFE80] =	vst v8  }
0x88: {  	[tilespmem:s5+$0xFFFFFF80] =	vst v43  }
0x89: {  	v45 =	vmul.f32 v15, v2;
	v2 =	vld [tilespmem:$0x1FFC0];
	_ =	sdelay $0x2  }
0x8a: {  	v57 =	vld.idx.msk [tilespmem:v57+s6+$0x0], $0xffff  }
0x8b: {  	v0 =	vld.idx.msk [tilespmem:v0+s6+$0x0], $0xffff  }
0x8c: {  	v39 =	vshll.u32 v51, $0x7;
	v51 =	vmul.f32 v14, v2;
	v2 =	vld [tilespmem:$0x1FFC0]  }
0x8d: {  	v46 =	vshll.u32 v48, $0x7;
	v48 =	vor.u32 v4, v33;
	v8 =	vmul.f32 v41, v5  }
0x8e: {  	v1 =	vld.idx.msk [tilespmem:v61+s6+$0x0], $0xffff  }
0x8f: {  	v44 =	vor.u32 v4, v29;
	v62 =	vlaneseq.u32;
	v8 =	vadd.f32 v57, v8  }
0x90: {  	v49 =	vmul.f32 v40, v55;
	v53 =	vld.idx.msk [tilespmem:v53+s6+$0x0], $0xffff;
	v50 =	vor.u32 v62, v46;
	v0 =	vadd.f32 v45, v0  }
0x91: {  	v47 =	vld.idx.msk [tilespmem:v47+s6+$0x0], $0xffff;
	v37 =	vor.u32 v4, v35;
	[tilespmem:s5+$0x310] =	vst v8;
	v61 =	vmul.f32 v13, v2  }
0x92: {  	v59 =	vor.u32 v4, v30;
	v48 =	vld.idx.msk [tilespmem:v48+s6+$0x0], $0xffff;
	[tilespmem:s5+$0x0] =	vst v0  }
0x93: {  	v38 =	vshll.u32 v38, $0x7;
	v49 =	vadd.f32 v49, v54;
	v54 =	vadd.f32 v61, v1;
	v1 =	vld [tilespmem:$0x1FFC0]  }
0x94: {  	v60 =	vor.u32 v62, v38;
	v44 =	vld.idx.msk [tilespmem:v44+s6+$0x0], $0xffff  }
0x95: {  	v50 =	vld.idx.msk [tilespmem:v50+s6+$0x0], $0xffff  }
0x96: {  	v63 =	vmul.f32 v40, v6;
	v37 =	vld.idx.msk [tilespmem:v37+s6+$0x0], $0xffff;
	v45 =	vor.u32 v4, v31  }
0x97: {  	v52 =	vmul.f32 v11, v55;
	v43 =	vor.u32 v62, v39;
	v57 =	vld.idx.msk [tilespmem:v59+s6+$0x0], $0xffff;
	v47 =	vadd.f32 v51, v47  }
0x98: {  	v55 =	vmul.f32 v36, v5;
	v8 =	vmul.f32 v9, v1;
	v1 =	vld [tilespmem:$0x1FFC0]  }
0x99: {  	v56 =	vmul.f32 v21, v5;
	v59 =	vld.idx.msk [tilespmem:v60+s6+$0x0], $0xffff;
	v51 =	vor.u32 v4, v24;
	[tilespmem:s5+$0x80] =	vst v47  }
0x9a: {  	v19 =	vmul.f32 v11, v5;
	v44 =	vadd.f32 v44, v55;
	v55 =	vor.u32 v4, v25;
	v61 =	vld [tilespmem:$0x1FFE0]  }
0x9b: {  	v58 =	vmul.f32 v22, v5;
	v48 =	vadd.f32 v48, v56;
	v56 =	vor.u32 v4, v26;
	v45 =	vld.idx.msk [tilespmem:v45+s6+$0x0], $0xffff  }
0x9c: {  	v20 =	vmul.f32 v11, v6;
	v43 =	vld.idx.msk [tilespmem:v43+s6+$0x0], $0xffff;
	v8 =	vadd.f32 v8, v50;
	v50 =	vor.u32 v4, v27  }
0x9d: {  	v37 =	vadd.f32 v37, v58;
	v58 =	vmul.f32 v12, v1;
	v1 =	vld [tilespmem:$0x1FFC0];
	[tilespmem:s5+$0x100] =	vst v54;
	v54 =	vor.u32 v4, v34  }
0x9e: {  	v60 =	vmul.f32 v32, v5;
	v51 =	vld.idx.msk [tilespmem:v51+s6+$0x0], $0xffff;
	[tilespmem:s5+$0x180] =	vst v8;
	v8 =	vor.u32 v4, v46  }
0x9f: {  	v52 =	vadd.f32 v52, v53;
	v55 =	vld.idx.msk [tilespmem:v55+s6+$0x0], $0xffff;
	v47 =	vor.u32 v61, v42;
	v58 =	vadd.f32 v58, v59  }
0xa0: {  	v53 =	vor.u32 v4, v38;
	v0 =	vmul.f32 v23, v5;
	v56 =	vld.idx.msk [tilespmem:v56+s6+$0x0], $0xffff;
	v60 =	vadd.f32 v45, v60  }
0xa1: {  	v45 =	vmul.f32 v16, v5;
	v50 =	vld.idx.msk [tilespmem:v50+s6+$0x0], $0xffff;
	[tilespmem:s5+$0x200] =	vst v58;
	v58 =	vor.u32 v4, v28  }
0xa2: {  	v0 =	vadd.f32 v57, v0;
	[tilespmem:s5+$0xFFFFFC00] =	vst v52;
	v57 =	vmul.f32 v10, v1;
	v54 =	vld.idx.msk [tilespmem:v54+s6+$0x0], $0xffff  }
0xa3: {  	v51 =	vadd.f32 v51, v45;
	[tilespmem:s5+$0x380] =	vst v49;
	v59 =	vmul.f32 v17, v5;
	v8 =	vld.idx.msk [tilespmem:v8+s6+$0x0], $0xffff  }
0xa4: {  	v45 =	vmul.f32 v41, v6;
	[tilespmem:s5+$0xFFFFFC90] =	vst v44;
	v47 =	vld.idx.msk [tilespmem:v47+s6+$0x0], $0xffff;
	v43 =	vadd.f32 v57, v43  }
0xa5: {  	v55 =	vadd.f32 v55, v59;
	v59 =	vor.u32 v4, v39;
	v53 =	vld.idx.msk [tilespmem:v53+s6+$0x0], $0xffff;
	v57 =	vmul.f32 v15, v5  }
0xa6: {  	v49 =	vmul.f32 v13, v5;
	v44 =	vmul.f32 v36, v7;
	[tilespmem:s5+$0x280] =	vst v43;
	v58 =	vld.idx.msk [tilespmem:v58+s6+$0x0], $0xffff  }
0xa7: {  	v43 =	vor.u32 v4, v18;
	v52 =	vadd.f32 v56, v57;
	v56 =	vmul.f32 v14, v5;
	v2 =	vld [tilespmem:$0x1FFF0];
	[tilespmem:s5+$0xFFFFFD10] =	vst v48  }
0xa8: {  	v49 =	vadd.f32 v54, v49;
	v54 =	vmul.f32 v12, v5;
	v48 =	vor.u32 v61, v33;
	[tilespmem:s5+$0xFFFFFE10] =	vst v0  }
0xa9: {  	v0 =	vmul.f32 v36, v6;
	[tilespmem:s5+$0xFFFFFE90] =	vst v60;
	v60 =	vor.u32 v61, v25;
	v45 =	vadd.f32 v47, v45  }
0xaa: {  	v57 =	vld.idx.msk [tilespmem:v59+s6+$0x0], $0xffff;
	v47 =	vor.u32 v61, v29;
	v50 =	vadd.f32 v50, v56;
	v56 =	vmul.f32 v9, v5  }
0xab: {  	[tilespmem:s5+$0xFFFFFD90] =	vst v37;
	v36 =	vmul.f32 v32, v7;
	v37 =	vadd.f32 v53, v54;
	v53 =	vor.u32 v61, v30  }
0xac: {  	v32 =	vmul.f32 v32, v6;
	v8 =	vadd.f32 v8, v56;
	v56 =	vor.u32 v61, v35;
	v1 =	vld.idx.msk [tilespmem:v43+s6+$0x0], $0xffff  }
0xad: {  	[tilespmem:s5+$0x320] =	vst v45;
	v45 =	vmul.f32 v21, v7;
	v59 =	vor.u32 v2, v42;
	v42 =	vmul.f32 v10, v5  }
0xae: {  	[tilespmem:s5+$0xFFFFFF10] =	vst v55;
	v21 =	vmul.f32 v21, v6;
	v43 =	vmul.f32 v22, v7;
	v48 =	vld.idx.msk [tilespmem:v48+s6+$0x0], $0xffff  }
0xaf: {  	v22 =	vmul.f32 v22, v6;
	v47 =	vld.idx.msk [tilespmem:v47+s6+$0x0], $0xffff;
	v54 =	vadd.f32 v57, v42;
	v57 =	vor.u32 v61, v31  }
0xb0: {  	v29 =	vor.u32 v2, v29;
	v33 =	vor.u32 v2, v33;
	v35 =	vor.u32 v2, v35;
	v53 =	vld.idx.msk [tilespmem:v53+s6+$0x0], $0xffff  }
0xb1: {  	v30 =	vor.u32 v2, v30;
	v25 =	vor.u32 v2, v25;
	v19 =	vadd.f32 v1, v19;
	v1 =	vld [tilespmem:$0x1FEF0];
	[tilespmem:s5+$0xFFFFFF90] =	vst v51  }
0xb2: {  	v56 =	vld.idx.msk [tilespmem:v56+s6+$0x0], $0xffff;
	v51 =	vor.u32 v61, v27;
	[tilespmem:s5+$0x90] =	vst v50;
	v50 =	vor.u32 v61, v34  }
0xb3: {  	[tilespmem:s5+$0x110] =	vst v49;
	v49 =	vor.u32 v61, v38;
	v59 =	vld.idx.msk [tilespmem:v59+s6+$0x0], $0xffff;
	v21 =	vadd.f32 v48, v21  }
0xb4: {  	[tilespmem:s5+$0x190] =	vst v8;
	v47 =	vadd.f32 v47, v0;
	v0 =	vmul.f32 v41, v7;
	v41 =	vld.idx.msk [tilespmem:v57+s6+$0x0], $0xffff  }
0xb5: {  	v42 =	vmul.f32 v23, v7;
	v8 =	vor.u32 v61, v39;
	v57 =	vld.idx.msk [tilespmem:v60+s6+$0x0], $0xffff;
	[tilespmem:s5+$0xFFFFFD20] =	vst v21  }
0xb6: {  	v23 =	vmul.f32 v23, v6;
	[tilespmem:s5+$0x210] =	vst v37;
	v37 =	vor.u32 v61, v18;
	v33 =	vld.idx.msk [tilespmem:v33+s6+$0x0], $0xffff  }
0xb7: {  	v31 =	vor.u32 v2, v31;
	[tilespmem:s5+$0x10] =	vst v52;
	v52 =	vmul.f32 v17, v6;
	v51 =	vld.idx.msk [tilespmem:v51+s6+$0x0], $0xffff  }
0xb8: {  	[tilespmem:s5+$0x290] =	vst v54;
	v27 =	vor.u32 v2, v27;
	v34 =	vor.u32 v2, v34;
	v50 =	vld.idx.msk [tilespmem:v50+s6+$0x0], $0xffff  }
0xb9: {  	v38 =	vor.u32 v2, v38;
	v18 =	vor.u32 v2, v18;
	[tilespmem:s5+$0xFFFFFC10] =	vst v19;
	v49 =	vld.idx.msk [tilespmem:v49+s6+$0x0], $0xffff  }
0xba: {  	v23 =	vadd.f32 v53, v23;
	v22 =	vadd.f32 v56, v22;
	v56 =	vor.u32 v61, v46;
	v8 =	vld.idx.msk [tilespmem:v8+s6+$0x0], $0xffff  }
0xbb: {  	[tilespmem:s5+$0xFFFFFCA0] =	vst v47;
	v55 =	vadd.f32 v58, v1;
	v58 =	vor.u32 v61, v24;
	v37 =	vld.idx.msk [tilespmem:v37+s6+$0x0], $0xffff  }
0xbc: {  	s20 =	simm.s32 $0x1F;
	v17 =	vmul.f32 v17, v7;
	v1 =	vor.u32 v61, v26;
	v29 =	vld.idx.msk [tilespmem:v29+s6+$0x0], $0xffff;
	[tilespmem:s5+$0xFFFFFE20] =	vst v23  }
0xbd: {  	s9 =	simm.s32 $0x11;
	v48 =	vmul.f32 v16, v6;
	v16 =	vmul.f32 v16, v7;
	v19 =	vmov s20;
	[tilespmem:s5+$0xFFFFFDA0] =	vst v22;
	v30 =	vld.idx.msk [tilespmem:v30+s6+$0x0], $0xffff  }
0xbe: {  	v60 =	vmul.f32 v15, v6;
	v47 =	vmov s9;
	s9 =	simm.s32 $0x14;
	v46 =	vor.u32 v2, v46;
	v35 =	vld.idx.msk [tilespmem:v35+s6+$0x0], $0xffff  }
0xbf: {  	v24 =	vor.u32 v2, v24;
	v23 =	vmov s9;
	v0 =	vadd.f32 v59, v0;
	[tilespmem:s5+$0x390] =	vst v55;
	v56 =	vld.idx.msk [tilespmem:v56+s6+$0x0], $0xffff  }
0xc0: {  	v55 =	vmul.f32 v12, v6;
	v32 =	vadd.f32 v41, v32;
	v41 =	vmul.f32 v14, v6;
	v58 =	vld.idx.msk [tilespmem:v58+s6+$0x0], $0xffff  }
0xc1: {  	s20 =	simm.s32 $0x13;
	v52 =	vadd.f32 v57, v52;
	v57 =	vmul.f32 v13, v6;
	v45 =	vadd.f32 v33, v45;
	v59 =	vld.idx.msk [tilespmem:v1+s6+$0x0], $0xffff  }
0xc2: {  	v33 =	vld.idx.msk [tilespmem:v19+s21+$0x0], $0xffff;
	v41 =	vadd.f32 v51, v41;
	v22 =	vadd.f32 v49, v55;
	v49 =	vmov s20;
	[tilespmem:s5+$0xFFFFFEA0] =	vst v32;
	s20 =	simm.s32 $0x16  }
0xc3: {  	v26 =	vor.u32 v2, v26;
	v21 =	vadd.f32 v50, v57;
	[tilespmem:s5+$0xFFFFFF20] =	vst v52;
	v57 =	vmov s20;
	v31 =	vld.idx.msk [tilespmem:v31+s6+$0x0], $0xffff  }
0xc4: {  	v23 =	vand.u32 $0xFFFFFFF4, v23;
	v20 =	vadd.f32 v37, v20;
	v25 =	vld.idx.msk [tilespmem:v25+s6+$0x0], $0xffff;
	[tilespmem:s5+$0xA0] =	vst v41;
	v37 =	vand.u32 $0xFFFFFFF6, v57  }
0xc5: {  	s18 =	simm.s32 $0x10;
	v57 =	vld.idx.msk [tilespmem:v19+s22+$0x0], $0xffff;
	v48 =	vadd.f32 v58, v48;
	v58 =	vor.u32 v2, v28;
	v28 =	vor.u32 v61, v28  }
0xc6: {  	[tilespmem:s5+$0xFFFFFC20] =	vst v20;
	v27 =	vld.idx.msk [tilespmem:v27+s6+$0x0], $0xffff;
	v53 =	vadd.f32 v59, v60;
	v60 =	vmov s18;
	v59 =	vmul.f32 v9, v6;
	s18 =	simm.s32 $0x12  }
0xc7: {  	[tilespmem:s5+$0x120] =	vst v21;
	v18 =	vld.idx.msk [tilespmem:v18+s6+$0x0], $0xffff;
	v54 =	vand.u32 $0xFFFFFFF0, v60;
	v50 =	vmov s18;
	v60 =	vmul.f32 v10, v6  }
0xc8: {  	s18 =	simm.s32 $0x15;
	v31 =	vadd.f32 v31, v36;
	v36 =	vbroadcast v23, $0x0;
	[tilespmem:s5+$0xFFFFFFA0] =	vst v48;
	v48 =	vand.u32 $0xFFFFFFF2, v50;
	v50 =	vld.idx.msk [tilespmem:v34+s6+$0x0], $0xffff  }
0xc9: {  	v49 =	vand.u32 $0xFFFFFFF3, v49;
	v51 =	vadd.f32 v56, v59;
	v32 =	vmov s18;
	[tilespmem:s5+$0x20] =	vst v53;
	v24 =	vld.idx.msk [tilespmem:v24+s6+$0x0], $0xffff  }
0xca: {  	[tilespmem:s5+$0x220] =	vst v22;
	v21 =	vbroadcast v54, $0x0;
	v8 =	vadd.f32 v8, v60;
	v26 =	vld.idx.msk [tilespmem:v26+s6+$0x0], $0xffff;
	v60 =	vor.u32 v2, v39  }
0xcb: {  	v12 =	vmul.f32 v12, v7;
	v34 =	vbroadcast v49, $0x0;
	v22 =	vand.u32 $0xFFFFFFF5, v32;
	v32 =	vld.idx.msk [tilespmem:v38+s6+$0x0], $0xffff  }
0xcc: {  	v13 =	vmul.f32 v13, v7;
	v29 =	vadd.f32 v29, v44;
	v54 =	vbroadcast v48, $0x0;
	[tilespmem:s5+$0x1A0] =	vst v51;
	v28 =	vld.idx.msk [tilespmem:v28+s6+$0x0], $0xffff  }
0xcd: {  	s9 =	simm.s32 $0x17;
	s20 =	simm.s32 $0x19;
	v30 =	vadd.f32 v30, v42;
	v35 =	vadd.f32 v35, v43;
	v48 =	vbroadcast v37, $0x0;
	v51 =	vld.idx.msk [tilespmem:v46+s6+$0x0], $0xffff  }
0xce: {  	v17 =	vadd.f32 v25, v17;
	v59 =	vmov s9;
	s18 =	simm.s32 $0x18;
	s9 =	simm.s32 $0x1A;
	v53 =	vmov s20;
	[tilespmem:s5+$0x2A0] =	vst v8;
	v44 =	vld.idx.msk [tilespmem:v36+s22+$0x0], $0xffff  }
0xcf: {  	v52 =	vmov s18;
	v55 =	vmov s9;
	v20 =	vand.u32 $0xFFFFFFF7, v59;
	v60 =	vld.idx.msk [tilespmem:v60+s6+$0x0], $0xffff  }
0xd0: {  	[tilespmem:s5+$0x330] =	vst v0;
	s9 =	simm.s32 $0x1B;
	v41 =	vbroadcast v22, $0x0;
	v49 =	vbroadcast v20, $0x0;
	v0 =	vand.u32 $0xFFFFFFF8, v52;
	v43 =	vld.idx.msk [tilespmem:v21+s22+$0x0], $0xffff  }
0xd1: {  	[tilespmem:s5+$0xFFFFFD30] =	vst v45;
	v37 =	vmov s9;
	v8 =	vmul.f32 v15, v7;
	v1 =	vadd.f32 v50, v13;
	v42 =	vld.idx.msk [tilespmem:v34+s22+$0x0], $0xffff  }
0xd2: {  	[tilespmem:s5+$0xFFFFFCB0] =	vst v29;
	v50 =	vbroadcast v0, $0x0;
	v38 =	vld.idx.msk [tilespmem:v54+s22+$0x0], $0xffff;
	v28 =	vadd.f32 v28, v63;
	v63 =	vand.u32 $0xFFFFFFF1, v47  }
0xd3: {  	[tilespmem:s5+$0xFFFFFDB0] =	vst v35;
	v13 =	vand.u32 $0xFFFFFFFB, v37;
	v37 =	vld.idx.msk [tilespmem:v48+s22+$0x0], $0xffff;
	v25 =	vbroadcast v63, $0x0;
	v63 =	vmul.f32 v9, v7  }
0xd4: {  	v0 =	vand.u32 $0xFFFFFFF9, v53;
	v24 =	vadd.f32 v24, v16;
	v26 =	vadd.f32 v26, v8;
	v47 =	vld.idx.msk [tilespmem:v21+s21+$0x0], $0xffff;
	[tilespmem:s5+$0x3A0] =	vst v28  }
0xd5: {  	s18 =	simm.s32 $0x1C;
	v8 =	vadd.f32 v51, v63;
	v51 =	vbroadcast v0, $0x0;
	v0 =	vand.u32 $0xFFFFFFFA, v55;
	v55 =	vld [tilespmem:$0x1FFC0];
	[tilespmem:s5+$0xFFFFFE30] =	vst v30  }
0xd6: {  	v3 =	vadd.f32 v32, v12;
	v32 =	vmul.f32 v40, v7;
	v40 =	vmov s18;
	v46 =	vld.idx.msk [tilespmem:v41+s22+$0x0], $0xffff;
	[tilespmem:s5+$0xFFFFFEB0] =	vst v31  }
0xd7: {  	v14 =	vmul.f32 v14, v7;
	v45 =	vand.u32 $0xFFFFFFFC, v40;
	v40 =	vld.idx.msk [tilespmem:v49+s22+$0x0], $0xffff;
	[tilespmem:s5+$0xFFFFFF30] =	vst v17  }
0xd8: {  	v28 =	vld.idx.msk [tilespmem:v58+s6+$0x0], $0xffff;
	[tilespmem:s5+$0xFFFFFFB0] =	vst v24;
	v58 =	vmul.f32 v57, v5  }
0xd9: {  	v10 =	vmul.f32 v10, v7;
	v14 =	vadd.f32 v27, v14;
	[tilespmem:s5+$0x30] =	vst v26;
	v30 =	vld.idx.msk [tilespmem:v50+s22+$0x0], $0xffff  }
0xda: {  	v59 =	vmul.f32 v43, v6;
	v39 =	vld.idx.msk [tilespmem:v25+s22+$0x0], $0xffff;
	[tilespmem:$0x1FF00] =	vst v58  }
0xdb: {  	v10 =	vadd.f32 v60, v10;
	[tilespmem:s5+$0xB0] =	vst v14;
	v60 =	vmul.f32 v57, v55  }
0xdc: {  	[tilespmem:$0x1FF10] =	vst v59  }
0xdd: {  	v35 =	vld.idx.msk [tilespmem:v51+s22+$0x0], $0xffff;
	[tilespmem:$0x1FF20] =	vst v60  }
0xde: {  	v0 =	vbroadcast v0, $0x0;
	[tilespmem:s5+$0x130] =	vst v1;
	v1 =	vmul.f32 v43, v55;
	_ =	sdelay $0x1  }
0xdf: {  	[tilespmem:$0x1FF30] =	vst v1;
	v1 =	vmul.f32 v43, v5;
	_ =	sdelay $0x1  }
0xe0: {  	s20 =	simm.s32 $0x1D;
	v53 =	vbroadcast v13, $0x0;
	[tilespmem:$0x1FF40] =	vst v1;
	v1 =	vmul.f32 v39, v7  }
0xe1: {  	v20 =	vmov s20;
	[tilespmem:s5+$0x1B0] =	vst v8  }
0xe2: {  	v52 =	vand.u32 $0xFFFFFFFD, v20;
	v23 =	vbroadcast v45, $0x0;
	v45 =	vld.idx.msk [tilespmem:v0+s22+$0x0], $0xffff;
	[tilespmem:$0x1FF50] =	vst v1;
	v1 =	vmul.f32 v38, v7  }
0xe3: {  	v52 =	vbroadcast v52, $0x0  }
0xe4: {  	[tilespmem:$0x1FF60] =	vst v1;
	v1 =	vmul.f32 v42, v7  }
0xe5: {  	v11 =	vmul.f32 v11, v7;
	[tilespmem:s5+$0x230] =	vst v3  }
0xe6: {  	v59 =	vld.idx.msk [tilespmem:v53+s22+$0x0], $0xffff;
	[tilespmem:$0x1FF70] =	vst v1;
	v1 =	vmul.f32 v39, v6  }
0xe7: {  	v18 =	vadd.f32 v18, v11;
	[tilespmem:s5+$0x2B0] =	vst v10  }
0xe8: {  	v31 =	vld.idx.msk [tilespmem:v23+s22+$0x0], $0xffff;
	[tilespmem:$0x1FF80] =	vst v1;
	v1 =	vmul.f32 v38, v6  }
0xe9: {  	v56 =	vmov v2;
	v2 =	vadd.f32 v28, v32;
	v32 =	vld.idx.msk [tilespmem:v52+s22+$0x0], $0xffff;
	[tilespmem:s5+$0xFFFFFC30] =	vst v18  }
0xea: {  	v24 =	vld.idx.msk [tilespmem:v25+s21+$0x0], $0xffff;
	[tilespmem:$0x1FF90] =	vst v1;
	v1 =	vmul.f32 v42, v6;
	_ =	sdelay $0x1  }
0xeb: {  	[tilespmem:$0x1FFA0] =	vst v1;
	v1 =	vmul.f32 v44, v6  }
0xec: {  	v63 =	vmul.f32 v57, v6;
	v58 =	vmul.f32 v46, v7;
	[tilespmem:s5+$0x3B0] =	vst v2  }
0xed: {  	s4 =	sshll.u32 s2, $0x9;
	s20 =	simm.s32 $0x1E;
	s18 =	simm.s32 $0x20;
	v60 =	vmul.f32 v44, v7;
	v25 =	vld.idx.msk [tilespmem:v54+s21+$0x0], $0xffff;
	v54 =	vmul.f32 v46, v6;
	[tilespmem:$0x1FFB0] =	vst v1  }
.LBB2_5:
0xee: {  	[tilespmem:$0x1FEE0] =	vst v57  }
0xef: {  	[tilespmem:$0x1FED0] =	vst v43  }
0xf0: {  	v49 =	vld.idx.msk [tilespmem:v49+s21+$0x0], $0xffff;
	[tilespmem:$0x1FE40] =	vst v63  }
0xf1: {  	v26 =	vld.idx.msk [tilespmem:v50+s21+$0x0], $0xffff;
	[tilespmem:$0x1FDD0] =	vst v54  }
0xf2: {  	v19 =	vshll.u32 v33, $0x7;
	v27 =	vld.idx.msk [tilespmem:v51+s21+$0x0], $0xffff;
	[tilespmem:$0x1FE50] =	vst v60  }
0xf3: {  	v18 =	vmov s20;
	v13 =	vmul.f32 v42, v5;
	v28 =	vld.idx.msk [tilespmem:v0+s21+$0x0], $0xffff;
	[tilespmem:$0x1FE70] =	vst v58;
	v14 =	vor.u32 v56, v19  }
0xf4: {  	v12 =	vmul.f32 v44, v5;
	v10 =	vmul.f32 v46, v5;
	v58 =	vld.idx.msk [tilespmem:v34+s21+$0x0], $0xffff;
	v18 =	vand.u32 $0xFFFFFFFE, v18;
	[tilespmem:$0x1FEC0] =	vst v14  }
0xf5: {  	v43 =	vbroadcast v18, $0x0;
	[tilespmem:$0x1FD00] =	vst v13;
	v1 =	vmul.f32 v37, v6;
	v8 =	vmov v37;
	v37 =	vld.idx.msk [tilespmem:v36+s21+$0x0], $0xffff  }
0xf6: {  	[tilespmem:$0x1FD10] =	vst v12;
	v15 =	vmul.f32 v45, v6;
	v2 =	vmovc v45;
	v45 =	vld.idx.msk [tilespmem:v48+s21+$0x0], $0xffff;
	v34 =	vshll.u32 v47, $0x7;
	v54 =	vshll.u32 v24, $0x7  }
0xf7: {  	v0 =	vmovc v30;
	v47 =	vmul.f32 v32, v5;
	v9 =	vmul.f32 v8, v5;
	v29 =	vor.u32 v62, v54  }
0xf8: {  	[tilespmem:$0x1FE60] =	vst v8;
	v50 =	vshll.u32 v49, $0x7;
	v49 =	vshll.u32 v26, $0x7;
	v26 =	vmul.f32 v0, v55;
	v0 =	vld [tilespmem:$0x1FFC0]  }
0xf9: {  	v3 =	vmov v40;
	[tilespmem:$0x1FDE0] =	vst v1;
	v1 =	vmul.f32 v40, v6;
	v40 =	vld.idx.msk [tilespmem:v41+s21+$0x0], $0xffff;
	v41 =	vor.u32 v62, v19  }
0xfa: {  	v60 =	vmul.f32 v31, v5;
	v48 =	vshll.u32 v58, $0x7;
	v58 =	vmov v31;
	v31 =	vld.idx.msk [tilespmem:v23+s21+$0x0], $0xffff;
	[tilespmem:$0x1FDB0] =	vst v47  }
0xfb: {  	v56 =	vmul.f32 v2, v5;
	[tilespmem:$0x1FD30] =	vst v9;
	v23 =	vor.u32 v62, v48;
	v9 =	vld.idx.msk [tilespmem:v43+s21+$0x0], $0xffff  }
0xfc: {  	v51 =	vshll.u32 v25, $0x7;
	[tilespmem:$0x1FDF0] =	vst v1;
	v1 =	vmul.f32 v30, v6;
	v47 =	vshll.u32 v37, $0x7;
	v37 =	vld.idx.msk [tilespmem:v52+s21+$0x0], $0xffff  }
0xfd: {  	v57 =	vmul.f32 v59, v5;
	v63 =	vor.u32 v62, v51;
	[tilespmem:$0x1FD80] =	vst v56;
	v29 =	vld.idx.msk [tilespmem:v29+s6+$0x0], $0xffff  }
0xfe: {  	[tilespmem:$0x1FE00] =	vst v1;
	v1 =	vmul.f32 v35, v6;
	v56 =	vor.u32 v62, v47;
	v12 =	vld.idx.msk [tilespmem:v41+s6+$0x0], $0xffff;
	v52 =	vshll.u32 v40, $0x7  }
0xff: {  	[tilespmem:$0x1FE30] =	vst v15;
	v40 =	vmul.f32 v46, v55;
	v46 =	vshll.u32 v27, $0x7;
	v27 =	vmul.f32 v35, v0;
	v0 =	vld [tilespmem:$0x1FFC0]  }
0x100: {  	[tilespmem:$0x1FD90] =	vst v57;
	v15 =	vld.idx.msk [tilespmem:v23+s6+$0x0], $0xffff  }
0x101: {  	v13 =	vmul.f32 v44, v55;
	[tilespmem:$0x1FDA0] =	vst v60;
	v57 =	vor.u32 v62, v52;
	v23 =	vld.idx.msk [tilespmem:v43+s22+$0x0], $0xffff  }
0x102: {  	[tilespmem:$0x1FE10] =	vst v1;
	v25 =	vshll.u32 v9, $0x7;
	v9 =	vld.idx.msk [tilespmem:v63+s6+$0x0], $0xffff;
	v1 =	vmov v8;
	v8 =	vor.u32 v4, v19  }
0x103: {  	v41 =	vmov v32;
	v60 =	vor.u32 v62, v25;
	[tilespmem:$0x1FD70] =	vst v8;
	v8 =	vmul.f32 v3, v5;
	v32 =	vld.idx.msk [tilespmem:v56+s6+$0x0], $0xffff  }
0x104: {  	[tilespmem:$0x1FE90] =	vst v30;
	v44 =	vshll.u32 v28, $0x7;
	v63 =	vor.u32 v62, v50;
	v28 =	vmul.f32 v2, v0;
	v0 =	vld [tilespmem:$0x1FFC0]  }
0x105: {  	[tilespmem:$0x1FD40] =	vst v8;
	v8 =	vmul.f32 v30, v5;
	v30 =	vld.idx.msk [tilespmem:v53+s21+$0x0], $0xffff  }
0x106: {  	[tilespmem:$0x1FEA0] =	vst v35;
	v53 =	vshll.u32 v45, $0x7;
	v43 =	vld.idx.msk [tilespmem:v57+s6+$0x0], $0xffff;
	v57 =	vor.u32 v62, v44  }
0x107: {  	[tilespmem:$0x1FEB0] =	vst v2;
	v2 =	vld [tilespmem:$0x1FFE0];
	v16 =	vor.u32 v62, v53  }
0x108: {  	[tilespmem:$0x1FD50] =	vst v8;
	v8 =	vmul.f32 v35, v5;
	v35 =	vor.u32 v62, v46;
	v14 =	vld.idx.msk [tilespmem:v60+s6+$0x0], $0xffff  }
0x109: {  	[tilespmem:$0x1FD20] =	vst v10;
	v10 =	vmul.f32 v39, v55;
	v60 =	vld.idx.msk [tilespmem:v63+s6+$0x0], $0xffff;
	v63 =	vor.u32 v4, v54  }
0x10a: {  	v45 =	vmul.f32 v1, v55;
	v1 =	vld [tilespmem:$0x1FFC0];
	[tilespmem:$0x1FD60] =	vst v8;
	v8 =	vor.u32 v62, v34  }
0x10b: {  	v10 =	vadd.f32 v10, v29;
	v57 =	vld.idx.msk [tilespmem:v57+s6+$0x0], $0xffff  }
0x10c: {  	s5 =	sadd.s32 $0x800, s5;
	v16 =	vld.idx.msk [tilespmem:v16+s6+$0x0], $0xffff  }
0x10d: {  	v17 =	vmul.f32 v3, v55;
	v20 =	vor.u32 v4, v47;
	[tilespmem:s5+$0xFFFFFC80] =	vst v10;
	v56 =	vld.idx.msk [tilespmem:v35+s6+$0x0], $0xffff  }
0x10e: {  	v11 =	vor.u32 v61, v19;
	v10 =	vld.idx.msk [tilespmem:v63+s6+$0x0], $0xffff;
	v63 =	vadd.f32 v13, v32  }
0x10f: {  	v33 =	vmul.f32 v39, v5;
	[tilespmem:$0x1FE20] =	vst v11;
	v60 =	vadd.f32 v17, v60;
	v24 =	vld.idx.msk [tilespmem:v8+s6+$0x0], $0xffff  }
0x110: {  	v8 =	vmul.f32 v42, v55;
	v42 =	vshll.u32 v30, $0x7;
	v30 =	vmul.f32 v59, v0;
	v0 =	vld [tilespmem:$0x1FFC0];
	[tilespmem:s5+$0xFFFFFE00] =	vst v63  }
0x111: {  	v11 =	vmul.f32 v38, v55;
	v36 =	vmul.f32 v38, v5;
	[tilespmem:s5+$0xFFFFFF80] =	vst v60;
	v60 =	vld [tilespmem:$0x1FE20]  }
0x112: {  	[tilespmem:$0x1FDC0] =	vst v59;
	v39 =	vshll.u32 v31, $0x7;
	v38 =	vshll.u32 v37, $0x7;
	v59 =	vor.u32 v62, v42;
	v63 =	vld.idx.msk [tilespmem:v20+s6+$0x0], $0xffff  }
0x113: {  	v22 =	vor.u32 v4, v53;
	v55 =	vor.u32 v62, v49;
	v20 =	vld [tilespmem:$0x1FFE0];
	v45 =	vadd.f32 v45, v16  }
0x114: {  	v37 =	vmul.f32 v41, v1;
	v1 =	vor.u32 v61, v54;
	v10 =	vadd.f32 v10, v33;
	v33 =	vld [tilespmem:$0x1FD20]  }
0x115: {  	v61 =	vor.u32 v2, v51;
	v2 =	vlaneseq.u32;
	[tilespmem:s5+$0xFFFFFF00] =	vst v45;
	v45 =	vadd.f32 v28, v57;
	v28 =	vld [tilespmem:$0x1FDE0]  }
0x116: {  	v31 =	vmul.f32 v58, v0;
	v0 =	vor.u32 v62, v39;
	v62 =	vor.u32 v2, v38;
	v2 =	vld [tilespmem:$0x1FFC0]  }
0x117: {  	v59 =	vld.idx.msk [tilespmem:v59+s6+$0x0], $0xffff  }
0x118: {  	v55 =	vld.idx.msk [tilespmem:v55+s6+$0x0], $0xffff  }
0x119: {  	v22 =	vld.idx.msk [tilespmem:v22+s6+$0x0], $0xffff;
	[tilespmem:s5+$0xFFFFFC90] =	vst v10  }
0x11a: {  	v35 =	vor.u32 v4, v51;
	v1 =	vld.idx.msk [tilespmem:v1+s6+$0x0], $0xffff  }
0x11b: {  	v9 =	vadd.f32 v11, v9;
	[tilespmem:s5+$0x100] =	vst v45;
	v45 =	vld [tilespmem:$0x1FFE0];
	v2 =	vmul.f32 v23, v2  }
0x11c: {  	[tilespmem:$0x1FE80] =	vst v3;
	v13 =	vor.u32 v4, v42;
	v0 =	vld.idx.msk [tilespmem:v0+s6+$0x0], $0xffff;
	v57 =	vadd.f32 v30, v59  }
0x11d: {  	v3 =	vor.u32 v4, v25;
	[tilespmem:s5+$0xFFFFFD00] =	vst v9;
	v62 =	vld.idx.msk [tilespmem:v62+s6+$0x0], $0xffff;
	v2 =	vadd.f32 v2, v14  }
0x11e: {  	[tilespmem:s5+$0x180] =	vst v57;
	v57 =	vld [tilespmem:$0x1FD90]  }
0x11f: {  	[tilespmem:s5+$0x300] =	vst v2;
	v2 =	vadd.f32 v8, v15;
	v15 =	vld.idx.msk [tilespmem:v35+s6+$0x0], $0xffff  }
0x120: {  	v35 =	vadd.f32 v26, v55;
	v55 =	vld [tilespmem:$0x1FFC0]  }
0x121: {  	v19 =	vor.u32 v4, v48;
	v13 =	vld.idx.msk [tilespmem:v13+s6+$0x0], $0xffff  }
0x122: {  	v29 =	vor.u32 v4, v49;
	v3 =	vld.idx.msk [tilespmem:v3+s6+$0x0], $0xffff  }
0x123: {  	v0 =	vadd.f32 v31, v0;
	v31 =	vld [tilespmem:$0x1FE10]  }
0x124: {  	v32 =	vor.u32 v4, v39;
	[tilespmem:s5+$0xFFFFFD80] =	vst v2;
	v2 =	vadd.f32 v40, v43;
	v40 =	vadd.f32 v27, v56;
	v56 =	vld [tilespmem:$0x1FFF0]  }
0x125: {  	[tilespmem:s5+$0x0] =	vst v35;
	v35 =	vadd.f32 v37, v62;
	v37 =	vld [tilespmem:$0x1FD60]  }
0x126: {  	v21 =	vor.u32 v4, v52;
	v19 =	vld.idx.msk [tilespmem:v19+s6+$0x0], $0xffff  }
0x127: {  	v11 =	vor.u32 v4, v46;
	v43 =	vld.idx.msk [tilespmem:v29+s6+$0x0], $0xffff  }
0x128: {  	v8 =	vor.u32 v4, v44;
	[tilespmem:s5+$0x200] =	vst v0;
	v29 =	vld [tilespmem:$0x1FDF0]  }
0x129: {  	[tilespmem:s5+$0xFFFFFE80] =	vst v2;
	v0 =	vld.idx.msk [tilespmem:v32+s6+$0x0], $0xffff  }
0x12a: {  	[tilespmem:s5+$0x80] =	vst v40;
	v40 =	vld [tilespmem:$0x1FD70]  }
0x12b: {  	v20 =	vor.u32 v20, v25;
	v2 =	vmul.f32 v23, v5;
	v21 =	vld.idx.msk [tilespmem:v21+s6+$0x0], $0xffff  }
0x12c: {  	v11 =	vld.idx.msk [tilespmem:v11+s6+$0x0], $0xffff  }
0x12d: {  	v8 =	vld.idx.msk [tilespmem:v8+s6+$0x0], $0xffff;
	v2 =	vadd.f32 v3, v2  }
0x12e: {  	v3 =	vld [tilespmem:$0x1FF20]  }
0x12f: {  	v14 =	vor.u32 v4, v50;
	[tilespmem:s5+$0x310] =	vst v2;
	v2 =	vld [tilespmem:$0x1FD00]  }
0x130: {  	v59 =	vld.idx.msk [tilespmem:v20+s6+$0x0], $0xffff  }
0x131: {  	v20 =	vld [tilespmem:$0x1FD10]  }
0x132: {  	v16 =	vadd.f32 v21, v33;
	v21 =	vld [tilespmem:$0x1FD30]  }
0x133: {  	v10 =	vadd.f32 v11, v37;
	v37 =	vld [tilespmem:$0x1FDC0];
	v3 =	vadd.f32 v3, v12  }
0x134: {  	v12 =	vld.idx.msk [tilespmem:v14+s6+$0x0], $0xffff  }
0x135: {  	[tilespmem:s5+$0x380] =	vst v3;
	v3 =	vld [tilespmem:$0x1FFE0]  }
0x136: {  	v17 =	vadd.f32 v63, v20;
	v20 =	vld [tilespmem:$0x1FF30]  }
0x137: {  	v14 =	vadd.f32 v15, v36;
	v36 =	vmul.f32 v23, v6;
	v11 =	vld.idx.msk [tilespmem:v40+s6+$0x0], $0xffff  }
0x138: {  	v63 =	vld [tilespmem:$0x1FDB0]  }
0x139: {  	v9 =	vadd.f32 v59, v36;
	v36 =	vld [tilespmem:$0x1FE30];
	v21 =	vadd.f32 v22, v21;
	v22 =	vor.u32 v56, v25  }
0x13a: {  	v25 =	vld [tilespmem:$0x1FD80]  }
0x13b: {  	[tilespmem:s5+$0xFFFFFF10] =	vst v21;
	v21 =	vld [tilespmem:$0x1FF00]  }
0x13c: {  	v30 =	vor.u32 v56, v47;
	v3 =	vor.u32 v3, v47;
	v47 =	vld [tilespmem:$0x1FE40]  }
0x13d: {  	[tilespmem:s5+$0x320] =	vst v9;
	v20 =	vadd.f32 v20, v24;
	v24 =	vld [tilespmem:$0x1FFE0]  }
0x13e: {  	[tilespmem:s5+$0xFFFFFD10] =	vst v14;
	v9 =	vor.u32 v45, v53;
	v59 =	vld.idx.msk [tilespmem:v22+s6+$0x0], $0xffff  }
0x13f: {  	v18 =	vor.u32 v4, v34;
	v22 =	vld.idx.msk [tilespmem:v61+s6+$0x0], $0xffff  }
0x140: {  	v61 =	vld [tilespmem:$0x1FFE0]  }
0x141: {  	v8 =	vadd.f32 v8, v25;
	v25 =	vld [tilespmem:$0x1FDA0]  }
0x142: {  	[tilespmem:s5+$0xFFFFFC00] =	vst v20;
	v20 =	vld [tilespmem:$0x1FD40]  }
0x143: {  	v9 =	vld.idx.msk [tilespmem:v9+s6+$0x0], $0xffff  }
0x144: {  	v18 =	vld.idx.msk [tilespmem:v18+s6+$0x0], $0xffff  }
0x145: {  	v2 =	vadd.f32 v19, v2;
	[tilespmem:s5+$0xFFFFFE10] =	vst v17;
	v11 =	vadd.f32 v11, v21;
	v21 =	vld [tilespmem:$0x1FF80]  }
0x146: {  	v3 =	vld.idx.msk [tilespmem:v3+s6+$0x0], $0xffff;
	v24 =	vor.u32 v24, v48  }
0x147: {  	v13 =	vadd.f32 v13, v57;
	v57 =	vor.u32 v56, v48;
	[tilespmem:s5+$0xFFFFFD90] =	vst v2;
	v48 =	vld [tilespmem:$0x1FF50];
	v2 =	vor.u32 v61, v50  }
0x148: {  	v32 =	vor.u32 v61, v46;
	v12 =	vadd.f32 v12, v20;
	v20 =	vld [tilespmem:$0x1FD50]  }
0x149: {  	v33 =	vor.u32 v61, v44;
	v9 =	vadd.f32 v9, v28;
	v28 =	vor.u32 v56, v51;
	v51 =	vld [tilespmem:$0x1FF70]  }
0x14a: {  	[tilespmem:s5+$0xFFFFFE90] =	vst v16;
	v40 =	vor.u32 v61, v39;
	v1 =	vadd.f32 v1, v21;
	v21 =	vld [tilespmem:$0x1FF90]  }
0x14b: {  	[tilespmem:s5+$0xFFFFFF90] =	vst v12;
	v24 =	vld.idx.msk [tilespmem:v24+s6+$0x0], $0xffff  }
0x14c: {  	v26 =	vor.u32 v4, v38;
	[tilespmem:s5+$0x90] =	vst v10;
	v25 =	vadd.f32 v0, v25;
	v2 =	vld.idx.msk [tilespmem:v2+s6+$0x0], $0xffff  }
0x14d: {  	v27 =	vor.u32 v56, v54;
	[tilespmem:s5+$0x110] =	vst v8;
	v16 =	vld.idx.msk [tilespmem:v32+s6+$0x0], $0xffff  }
0x14e: {  	[tilespmem:s5+$0x210] =	vst v25;
	v12 =	vld.idx.msk [tilespmem:v33+s6+$0x0], $0xffff  }
0x14f: {  	[tilespmem:s5+$0x390] =	vst v11;
	v10 =	vld.idx.msk [tilespmem:v40+s6+$0x0], $0xffff  }
0x150: {  	[tilespmem:s5+$0x280] =	vst v35;
	v35 =	vor.u32 v61, v42;
	v32 =	vld.idx.msk [tilespmem:v60+s6+$0x0], $0xffff  }
0x151: {  	[tilespmem:s5+$0xFFFFFCA0] =	vst v1;
	v15 =	vadd.f32 v43, v20;
	v20 =	vld.idx.msk [tilespmem:v26+s6+$0x0], $0xffff  }
0x152: {  	v0 =	vor.u32 v61, v49;
	v27 =	vld.idx.msk [tilespmem:v27+s6+$0x0], $0xffff  }
0x153: {  	v43 =	vld [tilespmem:$0x1FFE0]  }
0x154: {  	[tilespmem:s5+$0x190] =	vst v13;
	v26 =	vld [tilespmem:$0x1FFB0]  }
0x155: {  	[tilespmem:s5+$0x10] =	vst v15;
	v15 =	vld.idx.msk [tilespmem:v35+s6+$0x0], $0xffff  }
0x156: {  	v21 =	vadd.f32 v22, v21;
	v17 =	vadd.f32 v20, v63;
	v20 =	vld [tilespmem:$0x1FF40]  }
0x157: {  	v22 =	vld.idx.msk [tilespmem:v0+s6+$0x0], $0xffff  }
0x158: {  	[tilespmem:s5+$0xFFFFFD20] =	vst v21;
	v21 =	vor.u32 v56, v53;
	v53 =	vld [tilespmem:$0x1FE70]  }
0x159: {  	v2 =	vadd.f32 v2, v29;
	v29 =	vld [tilespmem:$0x1FE00]  }
0x15a: {  	v45 =	vmul.f32 v58, v6;
	v28 =	vld.idx.msk [tilespmem:v28+s6+$0x0], $0xffff;
	v32 =	vadd.f32 v32, v47;
	v27 =	vadd.f32 v27, v48  }
0x15b: {  	v19 =	vor.u32 v43, v52;
	[tilespmem:s5+$0xFFFFFFA0] =	vst v2;
	v18 =	vadd.f32 v18, v20;
	v20 =	vmul.f32 v23, v7;
	v23 =	vld [tilespmem:$0x1FFA0]  }
0x15c: {  	s9 =	sadd.s32 $0xF, s18;
	v10 =	vadd.f32 v10, v45;
	v45 =	vld [tilespmem:$0x1FF10];
	[tilespmem:s5+$0x3A0] =	vst v32  }
0x15d: {  	v0 =	vmov s9;
	v3 =	vadd.f32 v3, v26;
	v26 =	vld [tilespmem:$0x1FDD0];
	[tilespmem:s5+$0xFFFFFCB0] =	vst v27  }
0x15e: {  	v8 =	vmul.f32 v37, v6;
	v2 =	vor.u32 v56, v42;
	v27 =	vld [tilespmem:$0x1FEC0];
	[tilespmem:s5+$0x290] =	vst v17  }
0x15f: {  	v43 =	vor.u32 v61, v34;
	[tilespmem:s5+$0xFFFFFE20] =	vst v3;
	v3 =	vor.u32 v56, v49;
	v49 =	vld [tilespmem:$0x1FF60];
	v22 =	vadd.f32 v22, v29  }
0x160: {  	v8 =	vadd.f32 v15, v8;
	v19 =	vld.idx.msk [tilespmem:v19+s6+$0x0], $0xffff;
	v23 =	vadd.f32 v24, v23;
	v24 =	vor.u32 v61, v38  }
0x161: {  	v30 =	vld.idx.msk [tilespmem:v30+s6+$0x0], $0xffff;
	[tilespmem:s5+$0x20] =	vst v22;
	v22 =	vor.u32 v56, v39  }
0x162: {  	v33 =	vld.idx.msk [tilespmem:v0+s21+$0x0], $0xffff;
	[tilespmem:s5+$0x1A0] =	vst v8;
	v14 =	vadd.f32 v59, v20  }
0x163: {  	v1 =	vor.u32 v56, v52;
	v2 =	vld.idx.msk [tilespmem:v2+s6+$0x0], $0xffff;
	[tilespmem:s5+$0xFFFFFC10] =	vst v18  }
0x164: {  	[tilespmem:s5+$0x330] =	vst v14;
	v14 =	vld.idx.msk [tilespmem:v43+s6+$0x0], $0xffff  }
0x165: {  	s20 =	sadd.s32 $0x1, s18;
	v16 =	vadd.f32 v16, v31;
	[tilespmem:s5+$0x220] =	vst v10;
	v20 =	vmov s18;
	v19 =	vadd.f32 v19, v26;
	v24 =	vld.idx.msk [tilespmem:v24+s6+$0x0], $0xffff  }
0x166: {  	v20 =	vand.u32 $0xFFFFFFF0, v20;
	v43 =	vor.u32 v56, v46;
	v26 =	vmov s20;
	s20 =	sadd.s32 $0x2, s18;
	v22 =	vld.idx.msk [tilespmem:v22+s6+$0x0], $0xffff;
	[tilespmem:s5+$0xFFFFFDA0] =	vst v23  }
0x167: {  	v31 =	vmul.f32 v41, v6;
	v20 =	vbroadcast v20, $0x0;
	v25 =	vmov s20;
	s20 =	sadd.s32 $0x3, s18;
	[tilespmem:s5+$0xFFFFFEA0] =	vst v19;
	v18 =	vld.idx.msk [tilespmem:v57+s6+$0x0], $0xffff  }
0x168: {  	v54 =	vmov s20;
	s20 =	sadd.s32 $0x4, s18;
	v23 =	vor.u32 v56, v50;
	v50 =	vor.u32 v56, v38;
	v1 =	vld.idx.msk [tilespmem:v1+s6+$0x0], $0xffff  }
0x169: {  	v29 =	vmov s20;
	s20 =	sadd.s32 $0x5, s18;
	v17 =	vand.u32 $0xFFFFFFF3, v54;
	v54 =	vld [tilespmem:$0x1FE80]  }
0x16a: {  	[tilespmem:s5+$0xA0] =	vst v16;
	v59 =	vmov s20;
	s20 =	sadd.s32 $0x6, s18;
	v52 =	vand.u32 $0xFFFFFFF4, v29;
	v29 =	vld [tilespmem:$0x1FE50];
	v24 =	vadd.f32 v24, v31  }
0x16b: {  	v14 =	vadd.f32 v14, v45;
	v19 =	vld.idx.msk [tilespmem:v43+s6+$0x0], $0xffff;
	v63 =	vmov s20  }
0x16c: {  	v57 =	vand.u32 $0xFFFFFFF6, v63;
	v63 =	vld.idx.msk [tilespmem:v0+s22+$0x0], $0xffff;
	[tilespmem:s5+$0x2A0] =	vst v24  }
0x16d: {  	v28 =	vadd.f32 v28, v49;
	[tilespmem:s5+$0xFFFFFC20] =	vst v14;
	v16 =	vld.idx.msk [tilespmem:v50+s6+$0x0], $0xffff  }
0x16e: {  	v60 =	vmul.f32 v37, v7;
	v12 =	vadd.f32 v12, v36;
	v43 =	vld.idx.msk [tilespmem:v20+s22+$0x0], $0xffff  }
0x16f: {  	v34 =	vor.u32 v56, v34;
	[tilespmem:s5+$0xFFFFFD30] =	vst v28;
	v28 =	vmul.f32 v58, v7;
	v29 =	vadd.f32 v30, v29;
	v30 =	vld [tilespmem:$0x1FE60]  }
0x170: {  	[tilespmem:s5+$0xFFFFFF20] =	vst v9;
	v26 =	vand.u32 $0xFFFFFFF1, v26;
	v0 =	vmul.f32 v41, v7;
	v23 =	vld.idx.msk [tilespmem:v23+s6+$0x0], $0xffff;
	v1 =	vadd.f32 v1, v53  }
0x171: {  	[tilespmem:s5+$0x120] =	vst v12;
	v21 =	vld.idx.msk [tilespmem:v21+s6+$0x0], $0xffff;
	v2 =	vadd.f32 v2, v60;
	v25 =	vand.u32 $0xFFFFFFF2, v25;
	v26 =	vbroadcast v26, $0x0  }
0x172: {  	v3 =	vld.idx.msk [tilespmem:v3+s6+$0x0], $0xffff;
	v25 =	vbroadcast v25, $0x0;
	v8 =	vand.u32 $0xFFFFFFF5, v59;
	[tilespmem:s5+$0xFFFFFEB0] =	vst v1;
	v1 =	vadd.f32 v16, v0  }
0x173: {  	[tilespmem:s5+$0x1B0] =	vst v2;
	v59 =	vld [tilespmem:$0x1FEA0];
	v41 =	vbroadcast v8, $0x0;
	v35 =	vadd.f32 v22, v28;
	v11 =	vmul.f32 v54, v7  }
0x174: {  	v8 =	vld [tilespmem:$0x1FED0];
	v18 =	vadd.f32 v18, v51;
	v30 =	vmul.f32 v30, v7;
	[tilespmem:s5+$0x2B0] =	vst v1;
	v1 =	vmul.f32 v43, v6  }
0x175: {  	s20 =	sadd.s32 $0x7, s18;
	v48 =	vbroadcast v57, $0x0;
	[tilespmem:s5+$0x230] =	vst v35;
	v57 =	vmovc v63;
	v11 =	vadd.f32 v23, v11;
	v23 =	vld.idx.msk [tilespmem:v34+s6+$0x0], $0xffff;
	v34 =	vbroadcast v17, $0x0  }
0x176: {  	v40 =	vmov s20;
	s20 =	sadd.s32 $0x8, s18;
	v21 =	vadd.f32 v21, v30;
	v30 =	vld [tilespmem:$0x1FE90];
	[tilespmem:$0x1FF10] =	vst v1;
	v1 =	vmul.f32 v57, v55  }
0x177: {  	v46 =	vor.u32 v56, v44;
	v15 =	vmov s20;
	s20 =	sadd.s32 $0x9, s18;
	v39 =	vld.idx.msk [tilespmem:v26+s22+$0x0], $0xffff;
	[tilespmem:s5+$0xFFFFFDB0] =	vst v18  }
0x178: {  	v27 =	vld.idx.msk [tilespmem:v27+s6+$0x0], $0xffff;
	v13 =	vmov s20;
	s20 =	sadd.s32 $0xA, s18;
	[tilespmem:$0x1FF20] =	vst v1;
	v1 =	vmul.f32 v43, v55  }
0x179: {  	v36 =	vbroadcast v52, $0x0;
	v38 =	vld.idx.msk [tilespmem:v25+s22+$0x0], $0xffff;
	v31 =	vmov s20;
	v14 =	vmul.f32 v59, v7;
	[tilespmem:s5+$0xFFFFFE30] =	vst v29  }
0x17a: {  	v18 =	vand.u32 $0xFFFFFFF9, v13;
	v8 =	vmul.f32 v8, v7;
	v0 =	vld [tilespmem:$0x1FEE0];
	[tilespmem:$0x1FF30] =	vst v1;
	v1 =	vmul.f32 v43, v5  }
0x17b: {  	s20 =	sadd.s32 $0xB, s18;
	v51 =	vbroadcast v18, $0x0;
	v14 =	vadd.f32 v19, v14;
	[tilespmem:s5+$0xFFFFFFB0] =	vst v11;
	v42 =	vld.idx.msk [tilespmem:v34+s22+$0x0], $0xffff;
	v30 =	vmul.f32 v30, v7  }
0x17c: {  	v9 =	vld.idx.msk [tilespmem:v46+s6+$0x0], $0xffff;
	v54 =	vmov s20;
	s20 =	sadd.s32 $0xC, s18;
	v24 =	vand.u32 $0xFFFFFFF7, v40;
	[tilespmem:$0x1FF40] =	vst v1;
	v1 =	vmul.f32 v39, v7  }
0x17d: {  	v47 =	vld.idx.msk [tilespmem:v20+s21+$0x0], $0xffff;
	v60 =	vmov s20;
	s20 =	sadd.s32 $0xD, s18;
	v2 =	vmul.f32 v57, v5;
	[tilespmem:s5+$0xB0] =	vst v14;
	v3 =	vadd.f32 v3, v30  }
0x17e: {  	v49 =	vbroadcast v24, $0x0;
	v63 =	vmov s20;
	v30 =	vld [tilespmem:$0x1FEB0];
	[tilespmem:$0x1FF50] =	vst v1;
	v1 =	vmul.f32 v38, v7  }
0x17f: {  	v25 =	vld.idx.msk [tilespmem:v25+s21+$0x0], $0xffff;
	v8 =	vadd.f32 v23, v8;
	v16 =	vand.u32 $0xFFFFFFF8, v15;
	v0 =	vmul.f32 v0, v7;
	[tilespmem:s5+$0x30] =	vst v3  }
0x180: {  	v44 =	vld.idx.msk [tilespmem:v36+s22+$0x0], $0xffff;
	v50 =	vbroadcast v16, $0x0;
	v3 =	vand.u32 $0xFFFFFFFB, v54;
	[tilespmem:$0x1FF60] =	vst v1;
	v1 =	vmul.f32 v42, v7  }
0x181: {  	v46 =	vld.idx.msk [tilespmem:v41+s22+$0x0], $0xffff;
	[tilespmem:$0x1FF00] =	vst v2;
	v19 =	vadd.f32 v27, v0;
	v0 =	vand.u32 $0xFFFFFFFA, v31;
	v53 =	vbroadcast v3, $0x0  }
0x182: {  	v24 =	vld.idx.msk [tilespmem:v26+s21+$0x0], $0xffff;
	v0 =	vbroadcast v0, $0x0;
	v3 =	vand.u32 $0xFFFFFFFC, v60;
	[tilespmem:$0x1FF70] =	vst v1;
	v1 =	vmul.f32 v39, v6  }
0x183: {  	v35 =	vld.idx.msk [tilespmem:v51+s22+$0x0], $0xffff;
	[tilespmem:s5+$0xFFFFFF30] =	vst v21;
	v23 =	vbroadcast v3, $0x0;
	v3 =	vand.u32 $0xFFFFFFFD, v63;
	v30 =	vmul.f32 v30, v7  }
0x184: {  	v37 =	vld.idx.msk [tilespmem:v48+s22+$0x0], $0xffff;
	v52 =	vbroadcast v3, $0x0;
	[tilespmem:$0x1FF80] =	vst v1;
	v1 =	vmul.f32 v38, v6  }
0x185: {  	p1 =	slt.u32 s18, $0xF0;
	v40 =	vld.idx.msk [tilespmem:v49+s22+$0x0], $0xffff;
	[tilespmem:s5+$0xFFFFFC30] =	vst v8;
	v9 =	vadd.f32 v9, v30  }
.Ltmp3:
0x186: {  	v30 =	vld.idx.msk [tilespmem:v50+s22+$0x0], $0xffff;
	[tilespmem:$0x1FF90] =	vst v1;
	v1 =	vmul.f32 v42, v6;
	(pc) =	sbr.rel @p1 .LBB2_5-.Ltmp3, $4  }
0x187: {  	[tilespmem:s5+$0x130] =	vst v9;
	v59 =	vld.idx.msk [tilespmem:v53+s22+$0x0], $0xffff  }
0x188: {  	v45 =	vld.idx.msk [tilespmem:v0+s22+$0x0], $0xffff;
	[tilespmem:$0x1FFA0] =	vst v1;
	v1 =	vmul.f32 v44, v6  }
0x189: {  	v58 =	vmul.f32 v46, v7;
	v54 =	vmul.f32 v46, v6;
	[tilespmem:s5+$0x3B0] =	vst v19;
	v31 =	vld.idx.msk [tilespmem:v23+s22+$0x0], $0xffff  }
0x18a: {  	v62 =	vlaneseq.u32;
	s20 =	sadd.s32 $0xE, s18;
	s18 =	sadd.s32 $0x10, s18;
	v60 =	vmul.f32 v44, v7;
	v63 =	vmul.f32 v57, v6;
	v32 =	vld.idx.msk [tilespmem:v52+s22+$0x0], $0xffff;
	[tilespmem:$0x1FFB0] =	vst v1  }
0x18b: {  	_ =	sdelay $0x1  }
0x18c: {  	v1 =	vmov s20  }
0x18d: {  	v1 =	vand.u32 $0xFFFFFFFE, v1  }
0x18e: {  	v2 =	vld.idx.msk [tilespmem:v34+s21+$0x0], $0xffff;
	v1 =	vbroadcast v1, $0x0  }
0x18f: {  	v9 =	vld.idx.msk [tilespmem:v36+s21+$0x0], $0xffff  }
0x190: {  	v10 =	vld.idx.msk [tilespmem:v41+s21+$0x0], $0xffff  }
0x191: {  	v11 =	vld.idx.msk [tilespmem:v48+s21+$0x0], $0xffff  }
0x192: {  	v12 =	vld.idx.msk [tilespmem:v49+s21+$0x0], $0xffff  }
0x193: {  	v13 =	vld.idx.msk [tilespmem:v50+s21+$0x0], $0xffff  }
0x194: {  	v8 =	vshll.u32 v25, $0x7;
	v3 =	vld.idx.msk [tilespmem:v1+s21+$0x0], $0xffff  }
0x195: {  	v14 =	vld.idx.msk [tilespmem:v51+s21+$0x0], $0xffff;
	v20 =	vor.u32 v62, v8  }
0x196: {  	v16 =	vld.idx.msk [tilespmem:v0+s21+$0x0], $0xffff;
	v41 =	vshll.u32 v2, $0x7  }
0x197: {  	v19 =	vld.idx.msk [tilespmem:v53+s21+$0x0], $0xffff;
	v34 =	vshll.u32 v33, $0x7;
	v36 =	vshll.u32 v9, $0x7;
	v22 =	vor.u32 v62, v41  }
0x198: {  	v21 =	vld.idx.msk [tilespmem:v23+s21+$0x0], $0xffff;
	v33 =	vshll.u32 v47, $0x7;
	v47 =	vshll.u32 v12, $0x7;
	v9 =	vor.u32 v62, v36  }
0x199: {  	v25 =	vld.idx.msk [tilespmem:v52+s21+$0x0], $0xffff;
	v28 =	vor.u32 v62, v47;
	v18 =	vshll.u32 v3, $0x7  }
0x19a: {  	v20 =	vld.idx.msk [tilespmem:v20+s6+$0x0], $0xffff;
	v3 =	vshll.u32 v24, $0x7;
	v15 =	vor.u32 v62, v18  }
0x19b: {  	v50 =	vshll.u32 v16, $0x7;
	v0 =	vld.idx.msk [tilespmem:v1+s22+$0x0], $0xffff;
	v17 =	vor.u32 v62, v3  }
0x19c: {  	v27 =	vmul.f32 v38, v55;
	v12 =	vor.u32 v62, v50;
	v22 =	vld.idx.msk [tilespmem:v22+s6+$0x0], $0xffff  }
0x19d: {  	v48 =	vshll.u32 v13, $0x7;
	v51 =	vshll.u32 v19, $0x7;
	v19 =	vor.u32 v4, v8;
	v9 =	vld.idx.msk [tilespmem:v9+s6+$0x0], $0xffff  }
0x19e: {  	v2 =	vshll.u32 v11, $0x7;
	v29 =	vor.u32 v62, v48;
	v16 =	vld.idx.msk [tilespmem:v28+s6+$0x0], $0xffff  }
0x19f: {  	v1 =	vshll.u32 v10, $0x7;
	v20 =	vadd.f32 v27, v20;
	v24 =	vor.u32 v62, v2;
	v10 =	vld.idx.msk [tilespmem:v15+s6+$0x0], $0xffff  }
0x1a0: {  	s5 =	sadd.s32 $0x800, s5;
	v15 =	vld.idx.msk [tilespmem:v17+s6+$0x0], $0xffff;
	v17 =	vor.u32 v62, v1  }
0x1a1: {  	v52 =	vmul.f32 v42, v55;
	v23 =	vor.u32 v62, v33;
	v12 =	vld.idx.msk [tilespmem:v12+s6+$0x0], $0xffff;
	[tilespmem:s5+$0xFFFFFD00] =	vst v20  }
0x1a2: {  	v26 =	vmul.f32 v39, v55;
	v11 =	vor.u32 v62, v34;
	v53 =	vmul.f32 v0, v55;
	v19 =	vld.idx.msk [tilespmem:v19+s6+$0x0], $0xffff  }
0x1a3: {  	v20 =	vmul.f32 v40, v55;
	v27 =	vor.u32 v4, v18;
	v13 =	vadd.f32 v52, v22;
	v22 =	vld.idx.msk [tilespmem:v29+s6+$0x0], $0xffff  }
0x1a4: {  	v49 =	vshll.u32 v14, $0x7;
	v14 =	vor.u32 v4, v3;
	v52 =	vshll.u32 v21, $0x7;
	v24 =	vld.idx.msk [tilespmem:v24+s6+$0x0], $0xffff  }
0x1a5: {  	v16 =	vadd.f32 v20, v16;
	v10 =	vadd.f32 v53, v10;
	v53 =	vmul.f32 v44, v55;
	v17 =	vld.idx.msk [tilespmem:v17+s6+$0x0], $0xffff  }
0x1a6: {  	v20 =	vor.u32 v62, v52;
	[tilespmem:s5+$0xFFFFFD80] =	vst v13;
	v13 =	vld.idx.msk [tilespmem:v23+s6+$0x0], $0xffff;
	v15 =	vadd.f32 v26, v15  }
0x1a7: {  	[tilespmem:s5+$0x300] =	vst v10;
	v10 =	vld.idx.msk [tilespmem:v11+s6+$0x0], $0xffff;
	v11 =	vmul.f32 v37, v55;
	v9 =	vadd.f32 v53, v9  }
0x1a8: {  	v26 =	vmul.f32 v46, v55;
	[tilespmem:s5+$0xFFFFFC80] =	vst v15;
	v15 =	vor.u32 v62, v49;
	v23 =	vld.idx.msk [tilespmem:v27+s6+$0x0], $0xffff  }
0x1a9: {  	[tilespmem:s5+$0xFFFFFE00] =	vst v9;
	v9 =	vor.u32 v62, v51;
	v11 =	vadd.f32 v11, v24;
	v24 =	vmul.f32 v30, v55  }
0x1aa: {  	[tilespmem:s5+$0xFFFFFF80] =	vst v16;
	v53 =	vshll.u32 v25, $0x7;
	v14 =	vld.idx.msk [tilespmem:v14+s6+$0x0], $0xffff;
	v17 =	vadd.f32 v26, v17;
	v26 =	vmul.f32 v38, v5  }
0x1ab: {  	[tilespmem:s5+$0xFFFFFF00] =	vst v11;
	v21 =	vadd.f32 v24, v22;
	v24 =	vmul.f32 v39, v5;
	v39 =	vor.u32 v62, v53  }
0x1ac: {  	v20 =	vld.idx.msk [tilespmem:v20+s6+$0x0], $0xffff;
	v11 =	vor.u32 v4, v36;
	[tilespmem:s5+$0xFFFFFE80] =	vst v17  }
0x1ad: {  	v22 =	vmul.f32 v0, v5;
	v17 =	vor.u32 v4, v41;
	v19 =	vadd.f32 v19, v26;
	v25 =	vld [tilespmem:$0x1FF20]  }
0x1ae: {  	v26 =	vor.u32 v61, v18;
	[tilespmem:s5+$0x0] =	vst v21;
	v21 =	vmul.f32 v45, v55;
	v9 =	vld.idx.msk [tilespmem:v9+s6+$0x0], $0xffff  }
0x1af: {  	v15 =	vld.idx.msk [tilespmem:v15+s6+$0x0], $0xffff;
	v22 =	vadd.f32 v23, v22;
	v23 =	vor.u32 v4, v1  }
0x1b0: {  	v14 =	vadd.f32 v14, v24;
	v24 =	vor.u32 v4, v2;
	v12 =	vadd.f32 v21, v12;
	v16 =	vld.idx.msk [tilespmem:v39+s6+$0x0], $0xffff  }
0x1b1: {  	v21 =	vmul.f32 v59, v55;
	[tilespmem:s5+$0x310] =	vst v22;
	v22 =	vor.u32 v4, v48;
	v11 =	vld.idx.msk [tilespmem:v11+s6+$0x0], $0xffff  }
0x1b2: {  	v29 =	vmul.f32 v46, v5;
	v17 =	vld.idx.msk [tilespmem:v17+s6+$0x0], $0xffff;
	v10 =	vadd.f32 v25, v10;
	v25 =	vmul.f32 v35, v55  }
0x1b3: {  	v27 =	vmul.f32 v42, v5;
	v26 =	vld.idx.msk [tilespmem:v26+s6+$0x0], $0xffff;
	v9 =	vadd.f32 v21, v9;
	v21 =	vmul.f32 v32, v55  }
0x1b4: {  	v42 =	vor.u32 v4, v51;
	[tilespmem:s5+$0x100] =	vst v12;
	v23 =	vld.idx.msk [tilespmem:v23+s6+$0x0], $0xffff;
	v15 =	vadd.f32 v25, v15  }
0x1b5: {  	v46 =	vor.u32 v4, v49;
	v24 =	vld.idx.msk [tilespmem:v24+s6+$0x0], $0xffff;
	[tilespmem:s5+$0x180] =	vst v9;
	v39 =	vadd.f32 v21, v16  }
0x1b6: {  	v28 =	vmul.f32 v44, v5;
	v25 =	vor.u32 v4, v47;
	v22 =	vld.idx.msk [tilespmem:v22+s6+$0x0], $0xffff;
	[tilespmem:s5+$0x80] =	vst v15  }
0x1b7: {  	v44 =	vmul.f32 v0, v6;
	v18 =	vor.u32 v56, v18;
	v21 =	vld [tilespmem:$0x1FF30];
	[tilespmem:s5+$0x280] =	vst v39  }
0x1b8: {  	v11 =	vadd.f32 v11, v28;
	v17 =	vadd.f32 v17, v27;
	v27 =	vmul.f32 v31, v55;
	[tilespmem:s5+$0x380] =	vst v10  }
0x1b9: {  	v12 =	vadd.f32 v26, v44;
	v16 =	vld.idx.msk [tilespmem:v42+s6+$0x0], $0xffff;
	v42 =	vor.u32 v4, v34;
	[tilespmem:s5+$0xFFFFFC90] =	vst v14  }
0x1ba: {  	v15 =	vld.idx.msk [tilespmem:v46+s6+$0x0], $0xffff;
	[tilespmem:s5+$0xFFFFFD10] =	vst v19;
	v38 =	vadd.f32 v27, v20;
	v20 =	vmul.f32 v37, v5  }
0x1bb: {  	v28 =	vor.u32 v4, v50;
	[tilespmem:s5+$0xFFFFFE10] =	vst v11;
	v25 =	vld.idx.msk [tilespmem:v25+s6+$0x0], $0xffff  }
0x1bc: {  	v26 =	vmul.f32 v35, v5;
	[tilespmem:s5+$0x320] =	vst v12;
	v20 =	vadd.f32 v24, v20;
	v24 =	vor.u32 v4, v52  }
0x1bd: {  	v23 =	vadd.f32 v23, v29;
	v39 =	vor.u32 v4, v33;
	[tilespmem:s5+$0x200] =	vst v38;
	v38 =	vor.u32 v4, v53  }
0x1be: {  	[tilespmem:s5+$0xFFFFFD90] =	vst v17;
	v18 =	vld.idx.msk [tilespmem:v18+s6+$0x0], $0xffff;
	v13 =	vadd.f32 v21, v13;
	v21 =	vmul.f32 v40, v5  }
0x1bf: {  	v46 =	vmul.f32 v30, v5;
	[tilespmem:s5+$0xFFFFFE90] =	vst v23;
	v23 =	vor.u32 v61, v41;
	v12 =	vld.idx.msk [tilespmem:v42+s6+$0x0], $0xffff  }
0x1c0: {  	v42 =	vor.u32 v61, v47;
	v15 =	vadd.f32 v15, v26;
	v9 =	vadd.f32 v25, v21;
	v25 =	vld.idx.msk [tilespmem:v28+s6+$0x0], $0xffff  }
0x1c1: {  	[tilespmem:s5+$0xFFFFFC00] =	vst v13;
	v13 =	vadd.f32 v22, v46;
	v46 =	vor.u32 v61, v3;
	v24 =	vld.idx.msk [tilespmem:v24+s6+$0x0], $0xffff  }
0x1c2: {  	v0 =	vmul.f32 v0, v7;
	[tilespmem:s5+$0xFFFFFF10] =	vst v20;
	v10 =	vld.idx.msk [tilespmem:v38+s6+$0x0], $0xffff;
	v38 =	vor.u32 v61, v1  }
0x1c3: {  	v22 =	vmul.f32 v45, v5;
	[tilespmem:s5+$0x90] =	vst v15;
	v14 =	vld.idx.msk [tilespmem:v39+s6+$0x0], $0xffff;
	v39 =	vor.u32 v61, v2  }
0x1c4: {  	v44 =	vmul.f32 v31, v5;
	v0 =	vadd.f32 v18, v0;
	v23 =	vld.idx.msk [tilespmem:v23+s6+$0x0], $0xffff;
	[tilespmem:s5+$0xFFFFFF90] =	vst v9  }
0x1c5: {  	[tilespmem:s5+$0x10] =	vst v13;
	v15 =	vld.idx.msk [tilespmem:v42+s6+$0x0], $0xffff;
	v22 =	vadd.f32 v25, v22;
	v25 =	vmul.f32 v59, v5  }
0x1c6: {  	v20 =	vmul.f32 v32, v5;
	[tilespmem:s5+$0x330] =	vst v0;
	v17 =	vld.idx.msk [tilespmem:v46+s6+$0x0], $0xffff  }
0x1c7: {  	v19 =	vadd.f32 v24, v44;
	v24 =	vor.u32 v61, v36;
	v9 =	vld.idx.msk [tilespmem:v38+s6+$0x0], $0xffff;
	v16 =	vadd.f32 v16, v25  }
0x1c8: {  	v10 =	vadd.f32 v10, v20;
	v20 =	vor.u32 v61, v48;
	v13 =	vld.idx.msk [tilespmem:v39+s6+$0x0], $0xffff;
	[tilespmem:s5+$0x110] =	vst v22  }
0x1c9: {  	v25 =	vor.u32 v61, v8;
	v27 =	vld [tilespmem:$0x1FF40];
	[tilespmem:s5+$0x190] =	vst v16  }
0x1ca: {  	v16 =	vld [tilespmem:$0x1FF00];
	[tilespmem:s5+$0x210] =	vst v19  }
0x1cb: {  	v22 =	vor.u32 v61, v49;
	v19 =	vld [tilespmem:$0x1FF80]  }
0x1cc: {  	v24 =	vld.idx.msk [tilespmem:v24+s6+$0x0], $0xffff  }
0x1cd: {  	v20 =	vld.idx.msk [tilespmem:v20+s6+$0x0], $0xffff  }
0x1ce: {  	v44 =	vor.u32 v61, v50;
	[tilespmem:s5+$0x290] =	vst v10;
	v25 =	vld.idx.msk [tilespmem:v25+s6+$0x0], $0xffff;
	v14 =	vadd.f32 v14, v27  }
0x1cf: {  	v21 =	vmul.f32 v37, v6;
	v10 =	vld [tilespmem:$0x1FF90];
	v12 =	vadd.f32 v12, v16  }
0x1d0: {  	v46 =	vor.u32 v61, v51;
	v22 =	vld.idx.msk [tilespmem:v22+s6+$0x0], $0xffff;
	[tilespmem:s5+$0xFFFFFC10] =	vst v14;
	v17 =	vadd.f32 v17, v19  }
0x1d1: {  	v26 =	vmul.f32 v40, v6;
	v9 =	vadd.f32 v9, v54;
	v14 =	vld [tilespmem:$0x1FFA0];
	[tilespmem:s5+$0x390] =	vst v12  }
0x1d2: {  	v11 =	vmul.f32 v30, v6;
	v38 =	vadd.f32 v13, v21;
	v28 =	vld [tilespmem:$0x1FFB0];
	[tilespmem:s5+$0xFFFFFCA0] =	vst v17  }
0x1d3: {  	v18 =	vmul.f32 v35, v6;
	v42 =	vadd.f32 v15, v26;
	v16 =	vld.idx.msk [tilespmem:v44+s6+$0x0], $0xffff;
	[tilespmem:s5+$0xFFFFFEA0] =	vst v9  }
0x1d4: {  	v11 =	vadd.f32 v20, v11;
	v10 =	vadd.f32 v25, v10;
	v25 =	vor.u32 v61, v52;
	[tilespmem:s5+$0xFFFFFF20] =	vst v38  }
0x1d5: {  	v0 =	vmul.f32 v45, v6;
	v39 =	vld.idx.msk [tilespmem:v46+s6+$0x0], $0xffff;
	v46 =	vor.u32 v56, v41;
	[tilespmem:s5+$0xFFFFFFA0] =	vst v42  }
0x1d6: {  	v18 =	vadd.f32 v22, v18;
	[tilespmem:s5+$0x20] =	vst v11;
	v14 =	vadd.f32 v23, v14;
	v23 =	vor.u32 v61, v53  }
0x1d7: {  	v27 =	vor.u32 v61, v34;
	[tilespmem:s5+$0xFFFFFD20] =	vst v10;
	v61 =	vor.u32 v61, v33  }
0x1d8: {  	[tilespmem:s5+$0xA0] =	vst v18;
	v0 =	vadd.f32 v16, v0;
	v24 =	vadd.f32 v24, v28;
	v28 =	vmul.f32 v59, v6  }
0x1d9: {  	v44 =	vld.idx.msk [tilespmem:v25+s6+$0x0], $0xffff;
	[tilespmem:s5+$0xFFFFFDA0] =	vst v14  }
0x1da: {  	v3 =	vor.u32 v56, v3;
	[tilespmem:s5+$0x120] =	vst v0;
	v13 =	vadd.f32 v39, v28;
	v39 =	vld.idx.msk [tilespmem:v46+s6+$0x0], $0xffff  }
0x1db: {  	v1 =	vor.u32 v56, v1;
	[tilespmem:s5+$0xFFFFFE20] =	vst v24;
	v20 =	vld.idx.msk [tilespmem:v23+s6+$0x0], $0xffff  }
0x1dc: {  	v2 =	vor.u32 v56, v2;
	v54 =	vld.idx.msk [tilespmem:v61+s6+$0x0], $0xffff;
	[tilespmem:s5+$0x1A0] =	vst v13  }
0x1dd: {  	v8 =	vor.u32 v56, v8;
	v46 =	vld [tilespmem:$0x1FF10]  }
0x1de: {  	v41 =	vor.u32 v56, v48;
	v17 =	vmul.f32 v31, v6;
	v21 =	vld.idx.msk [tilespmem:v27+s6+$0x0], $0xffff  }
0x1df: {  	v3 =	vld.idx.msk [tilespmem:v3+s6+$0x0], $0xffff;
	v61 =	vor.u32 v56, v36;
	v36 =	vmul.f32 v32, v6  }
0x1e0: {  	v1 =	vld.idx.msk [tilespmem:v1+s6+$0x0], $0xffff;
	v15 =	vadd.f32 v44, v17  }
0x1e1: {  	v2 =	vld.idx.msk [tilespmem:v2+s6+$0x0], $0xffff;
	v10 =	vadd.f32 v20, v36  }
0x1e2: {  	v38 =	vor.u32 v56, v47;
	v8 =	vld.idx.msk [tilespmem:v8+s6+$0x0], $0xffff;
	[tilespmem:s5+$0x220] =	vst v15;
	v9 =	vadd.f32 v54, v46  }
0x1e3: {  	v16 =	vld.idx.msk [tilespmem:v41+s6+$0x0], $0xffff;
	v44 =	vor.u32 v56, v49;
	v49 =	vor.u32 v56, v51;
	[tilespmem:s5+$0x2A0] =	vst v10  }
0x1e4: {  	v42 =	vor.u32 v56, v34;
	v18 =	vld [tilespmem:$0x1FF50];
	[tilespmem:s5+$0xFFFFFC20] =	vst v9  }
0x1e5: {  	v47 =	vor.u32 v56, v50;
	v50 =	vor.u32 v56, v52;
	v52 =	vor.u32 v56, v53;
	v51 =	vld [tilespmem:$0x1FF60]  }
0x1e6: {  	v53 =	vor.u32 v56, v33;
	v48 =	vadd.f32 v21, v63;
	v56 =	vmul.f32 v37, v7;
	v12 =	vld.idx.msk [tilespmem:v61+s6+$0x0], $0xffff  }
0x1e7: {  	v11 =	vld.idx.msk [tilespmem:v38+s6+$0x0], $0xffff;
	v1 =	vadd.f32 v1, v58  }
0x1e8: {  	v2 =	vadd.f32 v2, v56;
	v61 =	vmul.f32 v30, v7;
	v10 =	vld.idx.msk [tilespmem:v49+s6+$0x0], $0xffff;
	[tilespmem:s5+$0x3A0] =	vst v48  }
0x1e9: {  	v54 =	vld [tilespmem:$0x1FF70];
	[tilespmem:s5+$0xFFFFFEB0] =	vst v1;
	v3 =	vadd.f32 v3, v18  }
0x1ea: {  	v13 =	vadd.f32 v16, v61;
	v17 =	vld.idx.msk [tilespmem:v52+s6+$0x0], $0xffff;
	[tilespmem:s5+$0xFFFFFF30] =	vst v2;
	v8 =	vadd.f32 v8, v51  }
0x1eb: {  	v12 =	vadd.f32 v12, v60;
	v60 =	vmul.f32 v40, v7;
	[tilespmem:s5+$0xFFFFFCB0] =	vst v3;
	v3 =	vld.idx.msk [tilespmem:v44+s6+$0x0], $0xffff  }
0x1ec: {  	v34 =	vmul.f32 v59, v7;
	[tilespmem:s5+$0xFFFFFD30] =	vst v8;
	v8 =	vld.idx.msk [tilespmem:v47+s6+$0x0], $0xffff  }
0x1ed: {  	v36 =	vmul.f32 v32, v7;
	v9 =	vld.idx.msk [tilespmem:v50+s6+$0x0], $0xffff;
	[tilespmem:s5+$0x30] =	vst v13;
	v11 =	vadd.f32 v11, v60  }
0x1ee: {  	v63 =	vmul.f32 v35, v7;
	[tilespmem:s5+$0xFFFFFE30] =	vst v12;
	v10 =	vadd.f32 v10, v34  }
0x1ef: {  	v19 =	vmul.f32 v45, v7;
	v33 =	vld.idx.msk [tilespmem:v53+s6+$0x0], $0xffff;
	v1 =	vadd.f32 v17, v36;
	[tilespmem:s5+$0xFFFFFFB0] =	vst v11  }
0x1f0: {  	v35 =	vmul.f32 v31, v7;
	v0 =	vld.idx.msk [tilespmem:v42+s6+$0x0], $0xffff;
	[tilespmem:s5+$0x1B0] =	vst v10;
	v3 =	vadd.f32 v3, v63  }
0x1f1: {  	[tilespmem:s5+$0x2B0] =	vst v1;
	v8 =	vadd.f32 v8, v19  }
0x1f2: {  	v9 =	vadd.f32 v9, v35;
	[tilespmem:s5+$0xB0] =	vst v3;
	v3 =	vmul.f32 v43, v7  }
0x1f3: {  	v14 =	vadd.f32 v39, v54;
	[tilespmem:s5+$0x130] =	vst v8;
	v8 =	vmul.f32 v57, v7  }
0x1f4: {  	s9 =	sshll.u32 s2, $0x10;
	[tilespmem:s5+$0x230] =	vst v9;
	v2 =	vadd.f32 v33, v3  }
0x1f5: {  	s9 =	sadd.s32 s13, s9;
	[tilespmem:s5+$0xFFFFFDB0] =	vst v14;
	v0 =	vadd.f32 v0, v8  }
0x1f6: {  	p1 =	seq.s32 s2, $0x31;
	s9 =	sshrl.u32 s9, $0x3;
	[tilespmem:s5+$0xFFFFFC30] =	vst v2  }
0x1f7: {  	s18 =	sadd.s32 s8, s9;
	[tilespmem:s5+$0x3B0] =	vst v0;
	s5 =	sadd.s32 @!p1 s4, s14  }
0x1f8: {  	[hbm4b:s18+s6] =	stream.linear.scatter [tilespmem:s26], [sflag:$0x2], $0x8000, $0x38;
	[tilespmem:$0x12100] =	vst v63  }
0x1f9: {  	s5 =	sshrl.u32 @!p1 s5, $0x3  }
0x1fa: {  	s20 =	simm.s32 @!p1 $0x1D00;
	s18 =	simm.s32 @!p1 $0x0;
	s9 =	sadd.s32 @!p1 s0, s5  }
0x1fb: {  	[tilespmem:s20], [sflag:$0x1] =	stream.linear.gather @!p1 [hbm4b:s9+s18], $0x100, $0x38;
	[tilespmem:$0x12100] =	vst v63  }
0x1fc: {  	s5 =	sadd.s32 @!p1 s7, s5;
	s9 =	simm.s32 @!p1 $0x1E00  }
0x1fd: {  	[tilespmem:s9], [sflag:$0x1] =	stream.linear.gather @!p1 [hbm4b:s5+s18], $0x100, $0x38;
	[tilespmem:$0x12100] =	vst v63  }
0x1fe: {  	_ =	swait.ge [sflag:s28], $0x100  }
0x1ff: {  	[sflag:s28] =	ssyncset.done $0x0  }
0x200: {  	s20 =	simm.s32 $0x0;
	[sflag:s28] =	ssyncadd.s32 $0xFFFFFF00  }
0x201: {  	v37 =	vmov s20;
	s9 =	simm.s32 $0xF;
	_ =	swait.ge [sflag:s28], $0x100  }
0x202: {  	v0 =	vand.u32 $0xFFFFFFF0, v37;
	s18 =	simm.s32 $0x1;
	v38 =	vmov s9;
	[sflag:s28] =	ssyncset.done $0x0  }
0x203: {  	s20 =	simm.s32 $0x2;
	s9 =	simm.s32 @!p0 $0x4;
	v39 =	vmov s18;
	v0 =	vbroadcast v0, $0x0;
	[sflag:s28] =	ssyncadd.s32 $0xFFFFFF00  }
0x204: {  	v3 =	vmov s20;
	s18 =	simm.s32 $0x3;
	v2 =	vand.u32 $0xFFFFFFF1, v39;
	_ =	swait.ge @!p0 [sflag:s9], $0x8000  }
0x205: {  	s20 =	simm.s32 $0x4;
	v3 =	vand.u32 $0xFFFFFFF2, v3;
	v8 =	vmov s18;
	v2 =	vbroadcast v2, $0x0;
	[sflag:s9] =	ssyncset.done @!p0 $0x0  }
0x206: {  	v40 =	vmov s20;
	s20 =	simm.s32 $0x7;
	v3 =	vbroadcast v3, $0x0;
	v8 =	vand.u32 $0xFFFFFFF3, v8;
	v34 =	vld [tilespmem:$0x1FFC0];
	[sflag:s9] =	ssyncadd.s32 @!p0 $0xFFFF8000  }
0x207: {  	v9 =	vand.u32 $0xFFFFFFF4, v40;
	v45 =	vmov s20;
	v42 =	vbroadcast v8, $0x0;
	v10 =	vld.idx.msk [tilespmem:v38+s24+$0x0], $0xffff  }
0x208: {  	v44 =	vbroadcast v9, $0x0;
	v9 =	vand.u32 $0xFFFFFFF7, v45;
	v1 =	vld.idx.msk [tilespmem:v38+s23+$0x0], $0xffff  }
0x209: {  	v25 =	vbroadcast v9, $0x0;
	v11 =	vld.idx.msk [tilespmem:v0+s24+$0x0], $0xffff  }
0x20a: {  	v0 =	vld.idx.msk [tilespmem:v0+s23+$0x0], $0xffff  }
0x20b: {  	v36 =	vld.idx.msk [tilespmem:v2+s24+$0x0], $0xffff  }
0x20c: {  	s18 =	simm.s32 $0x6;
	v21 =	vld.idx.msk [tilespmem:v3+s24+$0x0], $0xffff  }
0x20d: {  	v8 =	vmov s18;
	v22 =	vld.idx.msk [tilespmem:v42+s24+$0x0], $0xffff  }
0x20e: {  	s18 =	simm.s32 $0x9;
	v8 =	vand.u32 $0xFFFFFFF6, v8;
	v23 =	vld.idx.msk [tilespmem:v44+s24+$0x0], $0xffff  }
0x20f: {  	v24 =	vbroadcast v8, $0x0;
	v8 =	vmov s18;
	v16 =	vld.idx.msk [tilespmem:v25+s24+$0x0], $0xffff  }
0x210: {  	s20 =	simm.s32 $0xA;
	v8 =	vand.u32 $0xFFFFFFF9, v8;
	v2 =	vld.idx.msk [tilespmem:v2+s23+$0x0], $0xffff  }
0x211: {  	v48 =	vmov s20;
	v27 =	vbroadcast v8, $0x0;
	v3 =	vld.idx.msk [tilespmem:v3+s23+$0x0], $0xffff  }
0x212: {  	v8 =	vand.u32 $0xFFFFFFFA, v48;
	s9 =	simm.s32 $0x5;
	v53 =	vld.idx.msk [tilespmem:v42+s23+$0x0], $0xffff  }
0x213: {  	v29 =	vbroadcast v8, $0x0;
	v41 =	vmov s9;
	v54 =	vld.idx.msk [tilespmem:v44+s23+$0x0], $0xffff  }
0x214: {  	s9 =	simm.s32 $0x8;
	v57 =	vld.idx.msk [tilespmem:v25+s23+$0x0], $0xffff;
	v43 =	vand.u32 $0xFFFFFFF5, v41  }
0x215: {  	v46 =	vmov s9;
	v20 =	vbroadcast v43, $0x0;
	v17 =	vld.idx.msk [tilespmem:v24+s24+$0x0], $0xffff  }
0x216: {  	s9 =	simm.s32 $0xB;
	v47 =	vand.u32 $0xFFFFFFF8, v46;
	v24 =	vld.idx.msk [tilespmem:v24+s23+$0x0], $0xffff  }
0x217: {  	s18 =	simm.s32 $0xC;
	v49 =	vmov s9;
	v26 =	vbroadcast v47, $0x0;
	v14 =	vld.idx.msk [tilespmem:v27+s24+$0x0], $0xffff  }
0x218: {  	v50 =	vmov s18;
	s9 =	simm.s32 $0xE;
	v8 =	vand.u32 $0xFFFFFFFB, v49;
	v27 =	vld.idx.msk [tilespmem:v27+s23+$0x0], $0xffff  }
0x219: {  	s20 =	simm.s32 $0xD;
	v28 =	vmov s9;
	v30 =	vbroadcast v8, $0x0;
	v8 =	vand.u32 $0xFFFFFFFC, v50;
	v13 =	vld.idx.msk [tilespmem:v29+s24+$0x0], $0xffff  }
0x21a: {  	v51 =	vmov s20;
	v28 =	vand.u32 $0xFFFFFFFE, v28;
	v31 =	vbroadcast v8, $0x0;
	v44 =	vld.idx.msk [tilespmem:v29+s23+$0x0], $0xffff  }
0x21b: {  	v8 =	vand.u32 $0xFFFFFFFD, v51;
	v37 =	vbroadcast v28, $0x0;
	v32 =	vld.idx.msk [tilespmem:v20+s24+$0x0], $0xffff  }
0x21c: {  	v52 =	vbroadcast v8, $0x0;
	v39 =	vld.idx.msk [tilespmem:v20+s23+$0x0], $0xffff  }
0x21d: {  	v15 =	vld.idx.msk [tilespmem:v26+s24+$0x0], $0xffff  }
0x21e: {  	v28 =	vshll.u32 v1, $0x7;
	v1 =	vld.idx.msk [tilespmem:v26+s23+$0x0], $0xffff  }
0x21f: {  	v9 =	vld.idx.msk [tilespmem:v30+s24+$0x0], $0xffff  }
0x220: {  	v58 =	vmul.f32 v10, v6;
	v25 =	vor.u32 v62, v28;
	v12 =	vld.idx.msk [tilespmem:v31+s24+$0x0], $0xffff  }
0x221: {  	v29 =	vshll.u32 v2, $0x7;
	v56 =	vld.idx.msk [tilespmem:v37+s23+$0x0], $0xffff  }
0x222: {  	v33 =	vshll.u32 v3, $0x7;
	v59 =	vor.u32 v62, v29;
	v8 =	vld.idx.msk [tilespmem:v52+s24+$0x0], $0xffff;
	[tilespmem:$0x1FC30] =	vst v58  }
0x223: {  	v60 =	vor.u32 v62, v33;
	v45 =	vld.idx.msk [tilespmem:v30+s23+$0x0], $0xffff  }
0x224: {  	v3 =	vld.idx.msk [tilespmem:v31+s23+$0x0], $0xffff  }
0x225: {  	v18 =	vshll.u32 v0, $0x7;
	v50 =	vld.idx.msk [tilespmem:v25+s6+$0x0], $0xffff  }
0x226: {  	v61 =	vor.u32 v62, v18;
	v41 =	vld.idx.msk [tilespmem:v37+s24+$0x0], $0xffff  }
0x227: {  	v2 =	vld.idx.msk [tilespmem:v59+s6+$0x0], $0xffff  }
0x228: {  	v46 =	vmul.f32 v10, v55;
	v47 =	vld.idx.msk [tilespmem:v60+s6+$0x0], $0xffff;
	v42 =	vshll.u32 v56, $0x7  }
0x229: {  	v49 =	vmul.f32 v11, v55;
	v35 =	vshll.u32 v53, $0x7;
	v59 =	vld [tilespmem:$0x1FFC0];
	v26 =	vor.u32 v62, v42  }
0x22a: {  	v63 =	vor.u32 v62, v35;
	v30 =	vshll.u32 v54, $0x7;
	v31 =	vshll.u32 v39, $0x7;
	v60 =	vld [tilespmem:$0x1FFC0]  }
0x22b: {  	v25 =	vshll.u32 v24, $0x7;
	v24 =	vshll.u32 v57, $0x7;
	v57 =	vld.idx.msk [tilespmem:v61+s6+$0x0], $0xffff;
	v37 =	vor.u32 v62, v30  }
0x22c: {  	v38 =	vor.u32 v62, v31;
	v55 =	vor.u32 v62, v25;
	v58 =	vor.u32 v62, v24;
	v62 =	vld [tilespmem:$0x1FFC0]  }
0x22d: {  	v61 =	vld [tilespmem:$0x1FFC0]  }
0x22e: {  	v39 =	vld.idx.msk [tilespmem:v26+s6+$0x0], $0xffff  }
0x22f: {  	v51 =	vld.idx.msk [tilespmem:v63+s6+$0x0], $0xffff  }
0x230: {  	v63 =	vld [tilespmem:$0x1FFC0];
	v56 =	vmul.f32 v21, v60  }
0x231: {  	v43 =	vmul.f32 v36, v59;
	v26 =	vshll.u32 v1, $0x7;
	v1 =	vmul.f32 v41, v62;
	v62 =	vld.idx.msk [tilespmem:v37+s6+$0x0], $0xffff  }
0x232: {  	v37 =	vadd.f32 v56, v47;
	v56 =	vld [tilespmem:$0x1FFC0]  }
0x233: {  	v48 =	vld.idx.msk [tilespmem:v52+s23+$0x0], $0xffff;
	v2 =	vadd.f32 v43, v2;
	v1 =	vadd.f32 v1, v39;
	v39 =	vor.u32 v4, v42  }
0x234: {  	s5 =	simm.s32 $0xA500;
	v59 =	vmul.f32 v22, v61;
	v38 =	vld.idx.msk [tilespmem:v38+s6+$0x0], $0xffff  }
0x235: {  	v0 =	vlaneseq.u32;
	v60 =	vmul.f32 v23, v63;
	v61 =	vmul.f32 v32, v34;
	v55 =	vld.idx.msk [tilespmem:v55+s6+$0x0], $0xffff;
	[tilespmem:s5+$0xFFFFFC80] =	vst v2  }
0x236: {  	v34 =	vshll.u32 v44, $0x7;
	v44 =	vld.idx.msk [tilespmem:v58+s6+$0x0], $0xffff;
	v51 =	vadd.f32 v59, v51;
	v63 =	vor.u32 v0, v26;
	[tilespmem:s5+$0x300] =	vst v1  }
0x237: {  	v47 =	vmul.f32 v17, v56;
	v56 =	vor.u32 v0, v34;
	v2 =	vld [tilespmem:$0x1FFC0];
	[tilespmem:s5+$0xFFFFFD00] =	vst v37  }
0x238: {  	v58 =	vadd.f32 v60, v62;
	v1 =	vor.u32 v4, v29;
	[tilespmem:s5+$0xFFFFFD80] =	vst v51;
	v60 =	vld.idx.msk [tilespmem:v39+s6+$0x0], $0xffff  }
0x239: {  	v27 =	vshll.u32 v27, $0x7;
	v59 =	vor.u32 v4, v33;
	v39 =	vadd.f32 v61, v38;
	v38 =	vld [tilespmem:$0x1FFC0]  }
0x23a: {  	v43 =	vor.u32 v0, v27  }
0x23b: {  	v37 =	vshll.u32 v45, $0x7;
	v45 =	vld.idx.msk [tilespmem:v63+s6+$0x0], $0xffff  }
0x23c: {  	v47 =	vadd.f32 v47, v55;
	v56 =	vld.idx.msk [tilespmem:v56+s6+$0x0], $0xffff;
	v2 =	vmul.f32 v16, v2  }
0x23d: {  	v55 =	vor.u32 v4, v30;
	[tilespmem:s5+$0xFFFFFE00] =	vst v58;
	v58 =	vmul.f32 v41, v5;
	v1 =	vld.idx.msk [tilespmem:v1+s6+$0x0], $0xffff  }
0x23e: {  	[tilespmem:s5+$0xFFFFFE80] =	vst v39;
	v39 =	vshll.u32 v48, $0x7;
	v48 =	vld.idx.msk [tilespmem:v59+s6+$0x0], $0xffff;
	v61 =	vmul.f32 v15, v38;
	v2 =	vadd.f32 v2, v44  }
0x23f: {  	v62 =	vlaneseq.u32;
	[tilespmem:s5+$0xFFFFFF00] =	vst v47;
	v38 =	vshll.u32 v3, $0x7;
	v3 =	vld.idx.msk [tilespmem:v43+s6+$0x0], $0xffff  }
0x240: {  	v51 =	vor.u32 v62, v37;
	v58 =	vadd.f32 v60, v58;
	v45 =	vadd.f32 v61, v45;
	v61 =	vld [tilespmem:$0x1FFE0];
	[tilespmem:s5+$0xFFFFFF80] =	vst v2  }
0x241: {  	v47 =	vor.u32 v4, v31;
	v59 =	vld [tilespmem:$0x1FFC0]  }
0x242: {  	v43 =	vor.u32 v4, v35;
	v60 =	vld [tilespmem:$0x1FFC0];
	[tilespmem:s5+$0x310] =	vst v58  }
0x243: {  	v55 =	vld.idx.msk [tilespmem:v55+s6+$0x0], $0xffff;
	[tilespmem:s5+$0x0] =	vst v45  }
0x244: {  	v40 =	vmul.f32 v10, v5;
	v53 =	vmul.f32 v21, v5;
	v44 =	vor.u32 v62, v38;
	v58 =	vld [tilespmem:$0x1FFC0]  }
0x245: {  	v52 =	vmul.f32 v36, v5;
	v54 =	vmul.f32 v22, v5;
	v51 =	vld.idx.msk [tilespmem:v51+s6+$0x0], $0xffff;
	v2 =	vor.u32 v62, v39  }
0x246: {  	v46 =	vadd.f32 v46, v50;
	v49 =	vadd.f32 v49, v57;
	v47 =	vld.idx.msk [tilespmem:v47+s6+$0x0], $0xffff;
	v59 =	vmul.f32 v14, v59  }
0x247: {  	v1 =	vadd.f32 v1, v52;
	v52 =	vor.u32 v4, v25;
	v48 =	vadd.f32 v48, v53;
	v43 =	vld.idx.msk [tilespmem:v43+s6+$0x0], $0xffff  }
0x248: {  	v53 =	vor.u32 v4, v26;
	v63 =	vmul.f32 v13, v60;
	v60 =	vld [tilespmem:$0x1FFC0];
	v3 =	vadd.f32 v59, v3  }
0x249: {  	v45 =	vmul.f32 v23, v5;
	v44 =	vld.idx.msk [tilespmem:v44+s6+$0x0], $0xffff;
	v59 =	vor.u32 v4, v24;
	v58 =	vmul.f32 v9, v58  }
0x24a: {  	v2 =	vld.idx.msk [tilespmem:v2+s6+$0x0], $0xffff;
	v50 =	vadd.f32 v63, v56;
	[tilespmem:s5+$0x80] =	vst v3;
	v3 =	vor.u32 v61, v42  }
0x24b: {  	v55 =	vadd.f32 v55, v45;
	v51 =	vadd.f32 v58, v51;
	v58 =	vor.u32 v4, v27;
	v45 =	vld [tilespmem:$0x1FFC0]  }
0x24c: {  	v57 =	vor.u32 v4, v38;
	v52 =	vld.idx.msk [tilespmem:v52+s6+$0x0], $0xffff;
	[tilespmem:s5+$0x100] =	vst v50;
	v50 =	vor.u32 v4, v34  }
0x24d: {  	v53 =	vld.idx.msk [tilespmem:v53+s6+$0x0], $0xffff;
	v56 =	vmul.f32 v32, v5;
	v63 =	vmul.f32 v12, v60;
	[tilespmem:s5+$0xFFFFFC00] =	vst v49  }
0x24e: {  	v43 =	vadd.f32 v43, v54;
	v54 =	vor.u32 v4, v39;
	[tilespmem:s5+$0x180] =	vst v51;
	v59 =	vld.idx.msk [tilespmem:v59+s6+$0x0], $0xffff  }
0x24f: {  	v51 =	vor.u32 v4, v37;
	v44 =	vadd.f32 v63, v44;
	v63 =	vmul.f32 v17, v5;
	v3 =	vld.idx.msk [tilespmem:v3+s6+$0x0], $0xffff  }
0x250: {  	v47 =	vadd.f32 v47, v56;
	[tilespmem:s5+$0x380] =	vst v46;
	v58 =	vld.idx.msk [tilespmem:v58+s6+$0x0], $0xffff;
	v60 =	vmul.f32 v8, v45  }
0x251: {  	v56 =	vmul.f32 v16, v5;
	[tilespmem:s5+$0xFFFFFC90] =	vst v1;
	v52 =	vadd.f32 v52, v63;
	v50 =	vld.idx.msk [tilespmem:v50+s6+$0x0], $0xffff  }
0x252: {  	[tilespmem:s5+$0x200] =	vst v44;
	v63 =	vmul.f32 v14, v5;
	v2 =	vadd.f32 v60, v2;
	v60 =	vor.u32 v4, v28  }
0x253: {  	v57 =	vld.idx.msk [tilespmem:v57+s6+$0x0], $0xffff;
	v49 =	vadd.f32 v59, v56;
	v59 =	vmul.f32 v41, v6;
	v56 =	vor.u32 v61, v29  }
0x254: {  	v46 =	vmul.f32 v13, v5;
	v51 =	vld.idx.msk [tilespmem:v51+s6+$0x0], $0xffff;
	[tilespmem:s5+$0x280] =	vst v2;
	v2 =	vor.u32 v4, v18  }
0x255: {  	v3 =	vadd.f32 v3, v59;
	v1 =	vadd.f32 v58, v63;
	v59 =	vld [tilespmem:$0x1FFF0];
	[tilespmem:s5+$0xFFFFFD10] =	vst v48;
	v48 =	vor.u32 v61, v33  }
0x256: {  	v54 =	vld.idx.msk [tilespmem:v54+s6+$0x0], $0xffff;
	v46 =	vadd.f32 v50, v46;
	[tilespmem:s5+$0xFFFFFF10] =	vst v52;
	v52 =	vor.u32 v61, v24  }
0x257: {  	v50 =	vmul.f32 v12, v5;
	[tilespmem:s5+$0xFFFFFF90] =	vst v49;
	v49 =	vor.u32 v61, v27;
	v60 =	vld.idx.msk [tilespmem:v60+s6+$0x0], $0xffff  }
0x258: {  	v63 =	vmul.f32 v9, v5;
	[tilespmem:s5+$0x90] =	vst v1;
	v1 =	vor.u32 v61, v34;
	v56 =	vld.idx.msk [tilespmem:v56+s6+$0x0], $0xffff  }
0x259: {  	[tilespmem:s5+$0xFFFFFE10] =	vst v55;
	v50 =	vadd.f32 v57, v50;
	v57 =	vor.u32 v61, v30;
	v2 =	vld.idx.msk [tilespmem:v2+s6+$0x0], $0xffff  }
0x25a: {  	v45 =	vmul.f32 v15, v5;
	[tilespmem:s5+$0xFFFFFE90] =	vst v47;
	v47 =	vor.u32 v61, v31;
	v48 =	vld.idx.msk [tilespmem:v48+s6+$0x0], $0xffff  }
0x25b: {  	v51 =	vadd.f32 v51, v63;
	[tilespmem:s5+$0x110] =	vst v46;
	v46 =	vor.u32 v61, v38;
	v52 =	vld.idx.msk [tilespmem:v52+s6+$0x0], $0xffff  }
0x25c: {  	[tilespmem:s5+$0x320] =	vst v3;
	v3 =	vmul.f32 v8, v5;
	v58 =	vor.u32 v59, v42;
	v49 =	vld.idx.msk [tilespmem:v49+s6+$0x0], $0xffff  }
0x25d: {  	v63 =	vmul.f32 v36, v6;
	[tilespmem:s5+$0x190] =	vst v51;
	v59 =	vor.u32 v61, v35;
	v1 =	vld.idx.msk [tilespmem:v1+s6+$0x0], $0xffff  }
0x25e: {  	v53 =	vadd.f32 v53, v45;
	v51 =	vor.u32 v61, v39;
	[tilespmem:s5+$0x210] =	vst v50;
	v57 =	vld.idx.msk [tilespmem:v57+s6+$0x0], $0xffff  }
0x25f: {  	v3 =	vadd.f32 v54, v3;
	v54 =	vadd.f32 v56, v63;
	v63 =	vmul.f32 v41, v7;
	v41 =	vld.idx.msk [tilespmem:v47+s6+$0x0], $0xffff  }
0x260: {  	v45 =	vmul.f32 v21, v7;
	v21 =	vmul.f32 v21, v6;
	v56 =	vor.u32 v61, v26;
	v46 =	vld.idx.msk [tilespmem:v46+s6+$0x0], $0xffff  }
0x261: {  	[tilespmem:s5+$0xFFFFFD90] =	vst v43;
	v40 =	vadd.f32 v60, v40;
	v60 =	vmul.f32 v16, v6;
	v55 =	vld.idx.msk [tilespmem:v58+s6+$0x0], $0xffff  }
0x262: {  	v19 =	vmul.f32 v11, v5;
	[tilespmem:s5+$0x10] =	vst v53;
	v59 =	vld.idx.msk [tilespmem:v59+s6+$0x0], $0xffff  }
0x263: {  	v50 =	vor.u32 v61, v18;
	v21 =	vadd.f32 v48, v21;
	v48 =	vadd.f32 v52, v60;
	v60 =	vld [tilespmem:$0x1FFF0];
	[tilespmem:s5+$0x290] =	vst v3  }
0x264: {  	v42 =	vmul.f32 v23, v7;
	v23 =	vmul.f32 v23, v6;
	v2 =	vadd.f32 v2, v19;
	v51 =	vld.idx.msk [tilespmem:v51+s6+$0x0], $0xffff  }
0x265: {  	v19 =	vor.u32 v61, v25;
	v56 =	vld.idx.msk [tilespmem:v56+s6+$0x0], $0xffff  }
0x266: {  	v23 =	vadd.f32 v57, v23;
	v57 =	vld [tilespmem:$0x1FFF0];
	[tilespmem:s5+$0xFFFFFC10] =	vst v2  }
0x267: {  	v43 =	vmul.f32 v22, v7;
	v22 =	vmul.f32 v22, v6;
	v58 =	vld [tilespmem:$0x1FFF0]  }
0x268: {  	v50 =	vld.idx.msk [tilespmem:v50+s6+$0x0], $0xffff;
	v0 =	vadd.f32 v55, v63;
	v55 =	vor.u32 v61, v37;
	v63 =	vmul.f32 v15, v6  }
0x269: {  	s18 =	simm.s32 $0x10;
	v22 =	vadd.f32 v59, v22;
	v52 =	vor.u32 v60, v28;
	v28 =	vor.u32 v61, v28;
	v59 =	vld [tilespmem:$0x1FFF0];
	[tilespmem:s5+$0x390] =	vst v40  }
0x26a: {  	v19 =	vld.idx.msk [tilespmem:v19+s6+$0x0], $0xffff;
	[tilespmem:s5+$0xFFFFFCA0] =	vst v54;
	v3 =	vadd.f32 v56, v63;
	v63 =	vmov s18  }
0x26b: {  	v44 =	vmul.f32 v36, v7;
	v29 =	vor.u32 v57, v29;
	v56 =	vand.u32 $0xFFFFFFF0, v63;
	v63 =	vld [tilespmem:$0x1FFF0];
	[tilespmem:s5+$0xFFFFFD20] =	vst v21  }
0x26c: {  	v36 =	vmul.f32 v32, v7;
	v32 =	vmul.f32 v32, v6;
	v33 =	vor.u32 v58, v33;
	v57 =	vld [tilespmem:$0x1FFF0]  }
0x26d: {  	v55 =	vld.idx.msk [tilespmem:v55+s6+$0x0], $0xffff  }
0x26e: {  	v32 =	vadd.f32 v41, v32;
	v41 =	vmul.f32 v14, v6;
	v28 =	vld.idx.msk [tilespmem:v28+s6+$0x0], $0xffff  }
0x26f: {  	v35 =	vor.u32 v59, v35;
	v59 =	vld [tilespmem:$0x1FFF0]  }
0x270: {  	v41 =	vadd.f32 v49, v41;
	v49 =	vmul.f32 v9, v6;
	v29 =	vld.idx.msk [tilespmem:v29+s6+$0x0], $0xffff  }
0x271: {  	v60 =	vmul.f32 v12, v6;
	v30 =	vor.u32 v63, v30;
	v33 =	vld.idx.msk [tilespmem:v33+s6+$0x0], $0xffff  }
0x272: {  	v49 =	vadd.f32 v55, v49;
	v55 =	vld [tilespmem:$0x1FFC0];
	[tilespmem:s5+$0xFFFFFDA0] =	vst v22  }
0x273: {  	v47 =	vmul.f32 v17, v6;
	v22 =	vadd.f32 v46, v60;
	v60 =	vld [tilespmem:$0x1FFF0]  }
0x274: {  	v31 =	vor.u32 v57, v31;
	[tilespmem:s5+$0xFFFFFE20] =	vst v23;
	v35 =	vld.idx.msk [tilespmem:v35+s6+$0x0], $0xffff  }
0x275: {  	v58 =	vmul.f32 v8, v6;
	v47 =	vadd.f32 v19, v47;
	v63 =	vld [tilespmem:$0x1FFF0]  }
0x276: {  	v53 =	vmul.f32 v13, v6;
	v25 =	vor.u32 v59, v25;
	[tilespmem:s5+$0xFFFFFEA0] =	vst v32;
	v30 =	vld.idx.msk [tilespmem:v30+s6+$0x0], $0xffff  }
0x277: {  	v23 =	vadd.f32 v51, v58;
	v51 =	vld [tilespmem:$0x1FFF0];
	[tilespmem:s5+$0xFFFFFF20] =	vst v47  }
0x278: {  	v1 =	vadd.f32 v1, v53;
	v53 =	vld [tilespmem:$0x1FC30]  }
0x279: {  	s20 =	simm.s32 $0x1F;
	v31 =	vld.idx.msk [tilespmem:v31+s6+$0x0], $0xffff  }
0x27a: {  	v20 =	vmul.f32 v11, v6;
	v2 =	vmov s20;
	v47 =	vld [tilespmem:$0x1FFF0]  }
0x27b: {  	v13 =	vmul.f32 v13, v7;
	v17 =	vmul.f32 v17, v7;
	s18 =	simm.s32 $0x11;
	[tilespmem:s5+$0xFFFFFFA0] =	vst v48;
	v25 =	vld.idx.msk [tilespmem:v25+s6+$0x0], $0xffff  }
0x27c: {  	v16 =	vmul.f32 v16, v7;
	s20 =	simm.s32 $0x12;
	v54 =	vmov s18;
	s18 =	simm.s32 $0x13;
	v57 =	vld [tilespmem:$0x1FFF0];
	[tilespmem:s5+$0x20] =	vst v3;
	v24 =	vor.u32 v60, v24  }
0x27d: {  	v21 =	vmov s20;
	s20 =	simm.s32 $0x14;
	v40 =	vmov s18;
	v58 =	vld [tilespmem:$0x1FFF0];
	[tilespmem:s5+$0xA0] =	vst v41;
	v26 =	vor.u32 v63, v26  }
0x27e: {  	s18 =	simm.s32 $0x15;
	v40 =	vand.u32 $0xFFFFFFF3, v40;
	v46 =	vmov s20;
	v60 =	vbroadcast v56, $0x0;
	v59 =	vld [tilespmem:$0x1FFF0]  }
0x27f: {  	v32 =	vmov s18;
	s18 =	simm.s32 $0x17;
	v29 =	vadd.f32 v29, v44;
	[tilespmem:s5+$0x120] =	vst v1;
	v63 =	vand.u32 $0xFFFFFFF1, v54;
	v54 =	vld.idx.msk [tilespmem:v2+s24+$0x0], $0xffff  }
0x280: {  	v44 =	vmov s18;
	v27 =	vor.u32 v51, v27;
	v56 =	vld [tilespmem:$0x1FFF0];
	v19 =	vadd.f32 v28, v53  }
0x281: {  	s20 =	simm.s32 $0x16;
	v45 =	vadd.f32 v33, v45;
	[tilespmem:s5+$0x220] =	vst v22;
	v22 =	vand.u32 $0xFFFFFFF5, v32;
	v34 =	vor.u32 v47, v34;
	v24 =	vld.idx.msk [tilespmem:v24+s6+$0x0], $0xffff  }
0x282: {  	v28 =	vmov s20;
	v31 =	vadd.f32 v31, v36;
	v37 =	vor.u32 v57, v37;
	[tilespmem:s5+$0x3A0] =	vst v19;
	v26 =	vld.idx.msk [tilespmem:v26+s6+$0x0], $0xffff  }
0x283: {  	v36 =	vbroadcast v40, $0x0;
	v38 =	vor.u32 v58, v38;
	v33 =	vor.u32 v59, v39;
	v39 =	vld.idx.msk [tilespmem:v52+s6+$0x0], $0xffff  }
0x284: {  	v41 =	vbroadcast v22, $0x0;
	v17 =	vadd.f32 v25, v17;
	v25 =	vand.u32 $0xFFFFFFF7, v44;
	v44 =	vld.idx.msk [tilespmem:v60+s24+$0x0], $0xffff  }
0x285: {  	v14 =	vmul.f32 v14, v7;
	[tilespmem:s5+$0x2A0] =	vst v23;
	v23 =	vand.u32 $0xFFFFFFF6, v28;
	v28 =	vbroadcast v63, $0x0;
	v27 =	vld.idx.msk [tilespmem:v27+s6+$0x0], $0xffff  }
0x286: {  	v15 =	vmul.f32 v15, v7;
	v12 =	vmul.f32 v12, v7;
	s18 =	simm.s32 $0x19;
	[tilespmem:s5+$0x1A0] =	vst v49;
	v34 =	vld.idx.msk [tilespmem:v34+s6+$0x0], $0xffff  }
0x287: {  	v20 =	vadd.f32 v50, v20;
	v21 =	vand.u32 $0xFFFFFFF2, v21;
	v50 =	vmov s18;
	v48 =	vld.idx.msk [tilespmem:v37+s6+$0x0], $0xffff  }
0x288: {  	v35 =	vadd.f32 v35, v43;
	v30 =	vadd.f32 v30, v42;
	s20 =	simm.s32 $0x18;
	v47 =	vand.u32 $0xFFFFFFF4, v46;
	v49 =	vld.idx.msk [tilespmem:v38+s6+$0x0], $0xffff  }
0x289: {  	v3 =	vmov s20;
	s20 =	simm.s32 $0x1A;
	v57 =	vmul.f32 v9, v7;
	v18 =	vor.u32 v56, v18;
	v42 =	vld.idx.msk [tilespmem:v36+s24+$0x0], $0xffff  }
0x28a: {  	[tilespmem:s5+$0xFFFFFC20] =	vst v20;
	v51 =	vmov s20;
	v3 =	vand.u32 $0xFFFFFFF8, v3;
	s20 =	simm.s32 $0x1B;
	v37 =	vbroadcast v47, $0x0;
	v46 =	vld.idx.msk [tilespmem:v41+s24+$0x0], $0xffff  }
0x28b: {  	[tilespmem:s5+$0x330] =	vst v0;
	v59 =	vmov s20;
	v47 =	vbroadcast v23, $0x0;
	v19 =	vadd.f32 v24, v16;
	v38 =	vld.idx.msk [tilespmem:v28+s24+$0x0], $0xffff  }
0x28c: {  	[tilespmem:s5+$0xFFFFFCB0] =	vst v29;
	v24 =	vbroadcast v21, $0x0;
	v20 =	vld.idx.msk [tilespmem:v33+s6+$0x0], $0xffff;
	v0 =	vadd.f32 v48, v57;
	v48 =	vbroadcast v25, $0x0  }
0x28d: {  	[tilespmem:s5+$0xFFFFFD30] =	vst v45;
	v33 =	vld.idx.msk [tilespmem:v2+s23+$0x0], $0xffff;
	v1 =	vadd.f32 v49, v12;
	v49 =	vbroadcast v3, $0x0;
	v3 =	vand.u32 $0xFFFFFFF9, v50  }
0x28e: {  	s18 =	simm.s32 $0x1C;
	[tilespmem:s5+$0xFFFFFDB0] =	vst v35;
	v18 =	vld.idx.msk [tilespmem:v18+s6+$0x0], $0xffff;
	v2 =	vadd.f32 v34, v13;
	v50 =	vbroadcast v3, $0x0;
	v3 =	vand.u32 $0xFFFFFFFA, v51  }
0x28f: {  	[tilespmem:s5+$0xFFFFFE30] =	vst v30;
	s20 =	simm.s32 $0x1D;
	v34 =	vld.idx.msk [tilespmem:v60+s23+$0x0], $0xffff;
	v60 =	vmov s18;
	v21 =	vbroadcast v3, $0x0;
	v3 =	vand.u32 $0xFFFFFFFB, v59  }
0x290: {  	[tilespmem:s5+$0xFFFFFEB0] =	vst v31;
	v63 =	vmov s20;
	v43 =	vld.idx.msk [tilespmem:v37+s24+$0x0], $0xffff;
	v52 =	vbroadcast v3, $0x0;
	v3 =	vand.u32 $0xFFFFFFFC, v60  }
0x291: {  	[tilespmem:s5+$0xFFFFFF30] =	vst v17;
	v15 =	vadd.f32 v26, v15;
	v45 =	vld.idx.msk [tilespmem:v47+s24+$0x0], $0xffff;
	v53 =	vbroadcast v3, $0x0;
	v3 =	vand.u32 $0xFFFFFFFD, v63  }
0x292: {  	[tilespmem:s5+$0xFFFFFFB0] =	vst v19;
	v40 =	vld.idx.msk [tilespmem:v24+s24+$0x0], $0xffff;
	v23 =	vbroadcast v3, $0x0;
	v3 =	vmul.f32 v54, v5  }
0x293: {  	v14 =	vadd.f32 v27, v14;
	[tilespmem:s5+$0x30] =	vst v15;
	v57 =	vld.idx.msk [tilespmem:v48+s24+$0x0], $0xffff  }
0x294: {  	v31 =	vld.idx.msk [tilespmem:v49+s24+$0x0], $0xffff;
	[tilespmem:$0x1FC40] =	vst v3;
	v3 =	vmul.f32 v44, v6  }
0x295: {  	[tilespmem:s5+$0xB0] =	vst v14  }
0x296: {  	[tilespmem:$0x1FC50] =	vst v3;
	v3 =	vmul.f32 v54, v55;
	_ =	sdelay $0x1  }
0x297: {  	v12 =	vmul.f32 v44, v55;
	v32 =	vld.idx.msk [tilespmem:v50+s24+$0x0], $0xffff;
	[tilespmem:$0x1FC60] =	vst v3  }
0x298: {  	v13 =	vmul.f32 v44, v5;
	[tilespmem:s5+$0x130] =	vst v2  }
0x299: {  	v10 =	vmul.f32 v10, v7;
	[tilespmem:$0x1FC70] =	vst v12  }
0x29a: {  	v58 =	vmul.f32 v8, v7;
	v14 =	vmul.f32 v38, v7;
	[tilespmem:$0x1FC80] =	vst v13  }
0x29b: {  	v15 =	vmul.f32 v40, v7;
	[tilespmem:s5+$0x1B0] =	vst v0  }
0x29c: {  	v8 =	vadd.f32 v39, v10;
	v16 =	vadd.f32 v20, v58;
	v39 =	vld.idx.msk [tilespmem:v21+s24+$0x0], $0xffff;
	[tilespmem:$0x1FC90] =	vst v14  }
0x29d: {  	v11 =	vmul.f32 v11, v7;
	[tilespmem:$0x1FCA0] =	vst v15  }
0x29e: {  	[tilespmem:s5+$0x2B0] =	vst v16;
	v16 =	vmul.f32 v38, v6  }
0x29f: {  	v11 =	vadd.f32 v18, v11;
	v35 =	vld.idx.msk [tilespmem:v52+s24+$0x0], $0xffff;
	[tilespmem:s5+$0x230] =	vst v1  }
0x2a0: {  	v17 =	vmul.f32 v40, v6;
	v29 =	vld.idx.msk [tilespmem:v53+s24+$0x0], $0xffff;
	[tilespmem:$0x1FCB0] =	vst v16  }
0x2a1: {  	v18 =	vmul.f32 v42, v6;
	v30 =	vld.idx.msk [tilespmem:v23+s24+$0x0], $0xffff;
	[tilespmem:s5+$0xFFFFFC30] =	vst v11  }
0x2a2: {  	v25 =	vld.idx.msk [tilespmem:v28+s23+$0x0], $0xffff;
	[tilespmem:$0x1FCC0] =	vst v17  }
0x2a3: {  	v19 =	vmul.f32 v43, v6;
	[tilespmem:$0x1FCD0] =	vst v18  }
0x2a4: {  	v51 =	vmul.f32 v46, v6;
	[tilespmem:s5+$0x3B0] =	vst v8  }
0x2a5: {  	v58 =	vmul.f32 v46, v7;
	v59 =	vmul.f32 v54, v6;
	v24 =	vld.idx.msk [tilespmem:v24+s23+$0x0], $0xffff;
	[tilespmem:$0x1FCE0] =	vst v19  }
0x2a6: {  	s9 =	simm.s32 $0x1E;
	s20 =	simm.s32 $0x20;
	s18 =	sadd.s32 s4, s15;
	v63 =	vmul.f32 v42, v7;
	v60 =	vmul.f32 v43, v7;
	[tilespmem:$0x1FCF0] =	vst v51  }
.LBB2_7:
0x2a7: {  	[tilespmem:$0x1FC20] =	vst v54  }
0x2a8: {  	[tilespmem:$0x1FC10] =	vst v44  }
0x2a9: {  	[tilespmem:$0x1FB70] =	vst v59  }
0x2aa: {  	[tilespmem:$0x1FB90] =	vst v60  }
0x2ab: {  	[tilespmem:$0x1FBB0] =	vst v58;
	v58 =	vmul.f32 v43, v5  }
0x2ac: {  	[tilespmem:$0x1FB80] =	vst v63  }
0x2ad: {  	[tilespmem:$0x1FA40] =	vst v58  }
0x2ae: {  	[tilespmem:$0x1FBC0] =	vst v57  }
0x2af: {  	[tilespmem:$0x1FBE0] =	vst v32  }
0x2b0: {  	v2 =	vld.idx.msk [tilespmem:v36+s23+$0x0], $0xffff;
	[tilespmem:$0x1FAF0] =	vst v29  }
0x2b1: {  	v49 =	vld.idx.msk [tilespmem:v49+s23+$0x0], $0xffff;
	[tilespmem:$0x1FB40] =	vst v30  }
0x2b2: {  	v16 =	vmul.f32 v46, v5;
	v63 =	vld.idx.msk [tilespmem:v41+s23+$0x0], $0xffff;
	v41 =	vmul.f32 v42, v5;
	v8 =	vmov v45;
	[tilespmem:$0x1FBD0] =	vst v31  }
0x2b3: {  	v3 =	vld.idx.msk [tilespmem:v37+s23+$0x0], $0xffff;
	v0 =	vmul.f32 v45, v6;
	v44 =	vmul.f32 v57, v6;
	v1 =	vmov v39;
	[tilespmem:$0x1FBA0] =	vst v8  }
0x2b4: {  	v26 =	vld.idx.msk [tilespmem:v21+s23+$0x0], $0xffff;
	v10 =	vmul.f32 v31, v6;
	v9 =	vmul.f32 v32, v6;
	[tilespmem:$0x1FBF0] =	vst v1  }
0x2b5: {  	v51 =	vmov s9;
	v28 =	vld.idx.msk [tilespmem:v52+s23+$0x0], $0xffff;
	v54 =	vmul.f32 v39, v6;
	v12 =	vmul.f32 v57, v5;
	[tilespmem:$0x1FB00] =	vst v0  }
0x2b6: {  	v34 =	vshll.u32 v34, $0x7;
	v45 =	vld.idx.msk [tilespmem:v48+s23+$0x0], $0xffff;
	v11 =	vmul.f32 v31, v5;
	v18 =	vmul.f32 v32, v5;
	[tilespmem:$0x1FB10] =	vst v44  }
0x2b7: {  	v15 =	vmul.f32 v8, v5;
	v13 =	vmovc v8;
	v8 =	vld.idx.msk [tilespmem:v50+s23+$0x0], $0xffff;
	v48 =	vshll.u32 v2, $0x7;
	v49 =	vshll.u32 v49, $0x7;
	[tilespmem:$0x1FB20] =	vst v10  }
0x2b8: {  	v2 =	vld.idx.msk [tilespmem:v53+s23+$0x0], $0xffff;
	[tilespmem:$0x1FB30] =	vst v9;
	v0 =	vand.u32 $0xFFFFFFFE, v51;
	v51 =	vshll.u32 v33, $0x7;
	v33 =	vor.u32 v62, v34  }
0x2b9: {  	[tilespmem:$0x1FB60] =	vst v54;
	v44 =	vld.idx.msk [tilespmem:v47+s23+$0x0], $0xffff;
	v54 =	vshll.u32 v25, $0x7;
	v47 =	vshll.u32 v3, $0x7;
	v17 =	vor.u32 v62, v49  }
0x2ba: {  	[tilespmem:$0x1FA70] =	vst v12;
	v56 =	vor.u32 v56, v51;
	v59 =	vor.u32 v61, v51;
	v60 =	vor.u32 v62, v51  }
0x2bb: {  	[tilespmem:$0x1FA80] =	vst v11;
	v14 =	vor.u32 v4, v51;
	v51 =	vmul.f32 v35, v5;
	v27 =	vor.u32 v62, v54  }
0x2bc: {  	v52 =	vmul.f32 v29, v5;
	[tilespmem:$0x1FA90] =	vst v18;
	v3 =	vld.idx.msk [tilespmem:v23+s23+$0x0], $0xffff;
	v39 =	vbroadcast v0, $0x0;
	v23 =	vor.u32 v62, v47  }
0x2bd: {  	v19 =	vmul.f32 v1, v5;
	v53 =	vmul.f32 v30, v5;
	[tilespmem:$0x1FAC0] =	vst v51;
	v51 =	vshll.u32 v24, $0x7;
	v24 =	vld.idx.msk [tilespmem:v33+s6+$0x0], $0xffff  }
0x2be: {  	[tilespmem:$0x1FAD0] =	vst v52;
	v10 =	vmul.f32 v40, v55;
	v9 =	vmul.f32 v42, v55;
	v52 =	vshll.u32 v63, $0x7;
	v17 =	vld.idx.msk [tilespmem:v17+s6+$0x0], $0xffff  }
0x2bf: {  	v12 =	vmul.f32 v43, v55;
	v58 =	vor.u32 v62, v52;
	[tilespmem:$0x1FC00] =	vst v56;
	v11 =	vld.idx.msk [tilespmem:v60+s6+$0x0], $0xffff  }
0x2c0: {  	v63 =	vmul.f32 v46, v55;
	v43 =	vshll.u32 v26, $0x7;
	v42 =	vshll.u32 v28, $0x7;
	[tilespmem:$0x1FAA0] =	vst v14;
	v27 =	vld.idx.msk [tilespmem:v27+s6+$0x0], $0xffff  }
0x2c1: {  	v18 =	vmovc v29;
	v0 =	vmovc v1;
	v1 =	vmov v30;
	v30 =	vor.u32 v62, v48;
	v50 =	vshll.u32 v45, $0x7;
	v14 =	vld.idx.msk [tilespmem:v23+s6+$0x0], $0xffff  }
0x2c2: {  	v45 =	vmul.f32 v57, v55;
	v57 =	vor.u32 v62, v42;
	v29 =	vor.u32 v62, v51;
	v25 =	vld.idx.msk [tilespmem:v39+s23+$0x0], $0xffff  }
0x2c3: {  	v56 =	vmovc v31;
	v31 =	vmul.f32 v38, v55;
	v46 =	vshll.u32 v8, $0x7;
	v8 =	vmul.f32 v32, v55;
	v23 =	vld.idx.msk [tilespmem:v39+s24+$0x0], $0xffff  }
0x2c4: {  	[tilespmem:$0x1FAE0] =	vst v53;
	v26 =	vmul.f32 v0, v55;
	v53 =	vshll.u32 v44, $0x7;
	v32 =	vor.u32 v62, v46;
	v39 =	vld.idx.msk [tilespmem:v58+s6+$0x0], $0xffff  }
0x2c5: {  	[tilespmem:$0x1FA50] =	vst v16;
	v44 =	vmul.f32 v13, v55;
	v16 =	vmul.f32 v56, v55;
	v55 =	vor.u32 v62, v43;
	v58 =	vld [tilespmem:$0x1FFC0]  }
0x2c6: {  	v13 =	vor.u32 v62, v53;
	v30 =	vld.idx.msk [tilespmem:v30+s6+$0x0], $0xffff  }
0x2c7: {  	v60 =	vor.u32 v62, v50;
	v57 =	vld.idx.msk [tilespmem:v57+s6+$0x0], $0xffff  }
0x2c8: {  	v36 =	vmul.f32 v38, v5;
	v38 =	vshll.u32 v3, $0x7;
	v29 =	vld.idx.msk [tilespmem:v29+s6+$0x0], $0xffff  }
0x2c9: {  	v0 =	vor.u32 v62, v38;
	v32 =	vld.idx.msk [tilespmem:v32+s6+$0x0], $0xffff  }
0x2ca: {  	v55 =	vld.idx.msk [tilespmem:v55+s6+$0x0], $0xffff  }
0x2cb: {  	v37 =	vmul.f32 v40, v5;
	[tilespmem:$0x1FAB0] =	vst v19;
	v19 =	vor.u32 v4, v48;
	v40 =	vshll.u32 v2, $0x7;
	v13 =	vld.idx.msk [tilespmem:v13+s6+$0x0], $0xffff  }
0x2cc: {  	[tilespmem:$0x1FA60] =	vst v15;
	v15 =	vld.idx.msk [tilespmem:v60+s6+$0x0], $0xffff;
	v28 =	vmul.f32 v35, v58;
	v58 =	vor.u32 v62, v40  }
0x2cd: {  	v60 =	vld [tilespmem:$0x1FFC0];
	v25 =	vshll.u32 v25, $0x7;
	v9 =	vadd.f32 v9, v30  }
0x2ce: {  	s5 =	sadd.s32 $0x800, s5;
	[tilespmem:$0x1FB50] =	vst v59;
	v0 =	vld.idx.msk [tilespmem:v0+s6+$0x0], $0xffff;
	v59 =	vor.u32 v62, v25  }
0x2cf: {  	v62 =	vld [tilespmem:$0x1FFC0];
	[tilespmem:s5+$0xFFFFFD80] =	vst v9  }
0x2d0: {  	v8 =	vadd.f32 v8, v32;
	v19 =	vld.idx.msk [tilespmem:v19+s6+$0x0], $0xffff  }
0x2d1: {  	v58 =	vld.idx.msk [tilespmem:v58+s6+$0x0], $0xffff  }
0x2d2: {  	v20 =	vor.u32 v4, v47;
	v10 =	vadd.f32 v10, v29;
	[tilespmem:s5+$0x80] =	vst v8;
	v8 =	vadd.f32 v28, v57;
	v28 =	vld [tilespmem:$0x1FB00]  }
0x2d3: {  	v22 =	vor.u32 v4, v53;
	v9 =	vadd.f32 v63, v39;
	v39 =	vadd.f32 v45, v15;
	v56 =	vld.idx.msk [tilespmem:v59+s6+$0x0], $0xffff  }
0x2d4: {  	v3 =	vmul.f32 v1, v60;
	[tilespmem:s5+$0xFFFFFD00] =	vst v10;
	v10 =	vadd.f32 v12, v14;
	v59 =	vld [tilespmem:$0x1FFC0]  }
0x2d5: {  	v63 =	vadd.f32 v44, v13;
	[tilespmem:s5+$0xFFFFFF80] =	vst v39;
	v39 =	vld [tilespmem:$0x1FC60]  }
0x2d6: {  	[tilespmem:s5+$0xFFFFFE00] =	vst v10;
	v0 =	vadd.f32 v3, v0;
	v3 =	vld [tilespmem:$0x1FC70]  }
0x2d7: {  	v1 =	vor.u32 v4, v54;
	[tilespmem:s5+$0xFFFFFF00] =	vst v63;
	v15 =	vld.idx.msk [tilespmem:v20+s6+$0x0], $0xffff  }
0x2d8: {  	v63 =	vld.idx.msk [tilespmem:v22+s6+$0x0], $0xffff  }
0x2d9: {  	v27 =	vadd.f32 v31, v27;
	v12 =	vor.u32 v4, v42;
	v22 =	vadd.f32 v26, v55;
	v55 =	vld [tilespmem:$0x1FFC0]  }
0x2da: {  	v33 =	vmov v35;
	v35 =	vmul.f32 v23, v62;
	v62 =	vor.u32 v4, v51;
	[tilespmem:s5+$0x180] =	vst v8;
	v8 =	vld [tilespmem:$0x1FA60]  }
0x2db: {  	[tilespmem:s5+$0xFFFFFC80] =	vst v27;
	v26 =	vld [tilespmem:$0x1FCE0]  }
0x2dc: {  	v45 =	vadd.f32 v16, v17;
	v16 =	vor.u32 v4, v38;
	v1 =	vld.idx.msk [tilespmem:v1+s6+$0x0], $0xffff  }
0x2dd: {  	v60 =	vor.u32 v61, v51;
	[tilespmem:s5+$0x100] =	vst v22;
	v22 =	vld [tilespmem:$0x1FA50];
	v2 =	vmul.f32 v18, v59  }
0x2de: {  	v12 =	vld.idx.msk [tilespmem:v12+s6+$0x0], $0xffff;
	v59 =	vor.u32 v61, v54;
	v61 =	vor.u32 v4, v25;
	v3 =	vadd.f32 v3, v24  }
0x2df: {  	[tilespmem:s5+$0x280] =	vst v0;
	v35 =	vadd.f32 v35, v56;
	v14 =	vld.idx.msk [tilespmem:v62+s6+$0x0], $0xffff  }
0x2e0: {  	v44 =	vmul.f32 v23, v5;
	v18 =	vor.u32 v4, v52;
	v8 =	vadd.f32 v63, v8;
	[tilespmem:s5+$0xFFFFFC00] =	vst v3;
	v3 =	vld [tilespmem:$0x1FA70]  }
0x2e1: {  	v56 =	vor.u32 v4, v49;
	[tilespmem:s5+$0x300] =	vst v35;
	v1 =	vadd.f32 v1, v36;
	v36 =	vld.idx.msk [tilespmem:v16+s6+$0x0], $0xffff  }
0x2e2: {  	v63 =	vmul.f32 v23, v6;
	[tilespmem:s5+$0xFFFFFF10] =	vst v8;
	v8 =	vmul.f32 v23, v7;
	v23 =	vld [tilespmem:$0x1FC40]  }
0x2e3: {  	v21 =	vor.u32 v4, v34;
	v30 =	vld.idx.msk [tilespmem:v61+s6+$0x0], $0xffff  }
0x2e4: {  	[tilespmem:s5+$0xFFFFFE80] =	vst v9;
	v35 =	vor.u32 v4, v40;
	v61 =	vld [tilespmem:$0x1FFE0]  }
0x2e5: {  	[tilespmem:s5+$0x0] =	vst v45;
	v18 =	vld.idx.msk [tilespmem:v18+s6+$0x0], $0xffff  }
0x2e6: {  	v31 =	vor.u32 v4, v50;
	v2 =	vadd.f32 v2, v58;
	v45 =	vld.idx.msk [tilespmem:v56+s6+$0x0], $0xffff  }
0x2e7: {  	v27 =	vor.u32 v4, v43;
	v56 =	vld [tilespmem:$0x1FFF0]  }
0x2e8: {  	[tilespmem:s5+$0x200] =	vst v2;
	v10 =	vadd.f32 v14, v37;
	v37 =	vld.idx.msk [tilespmem:v21+s6+$0x0], $0xffff  }
0x2e9: {  	v2 =	vld.idx.msk [tilespmem:v35+s6+$0x0], $0xffff  }
0x2ea: {  	v35 =	vld [tilespmem:$0x1FA80]  }
0x2eb: {  	v9 =	vadd.f32 v30, v44;
	v44 =	vld.idx.msk [tilespmem:v31+s6+$0x0], $0xffff  }
0x2ec: {  	v20 =	vor.u32 v61, v25;
	v18 =	vadd.f32 v18, v22;
	v22 =	vld.idx.msk [tilespmem:v27+s6+$0x0], $0xffff  }
0x2ed: {  	v32 =	vor.u32 v56, v25;
	v25 =	vld [tilespmem:$0x1FAB0]  }
0x2ee: {  	v31 =	vld [tilespmem:$0x1FB30]  }
0x2ef: {  	v11 =	vadd.f32 v39, v11;
	v39 =	vor.u32 v61, v47;
	v30 =	vor.u32 v56, v47;
	v47 =	vld [tilespmem:$0x1FC50]  }
0x2f0: {  	v21 =	vor.u32 v61, v48;
	[tilespmem:s5+$0x310] =	vst v9;
	v9 =	vadd.f32 v19, v41;
	v41 =	vld [tilespmem:$0x1FA90]  }
0x2f1: {  	v24 =	vor.u32 v61, v52;
	v57 =	vld.idx.msk [tilespmem:v20+s6+$0x0], $0xffff  }
0x2f2: {  	v29 =	vor.u32 v4, v46;
	v20 =	vld [tilespmem:$0x1FA40]  }
0x2f3: {  	v3 =	vadd.f32 v44, v3;
	v44 =	vld [tilespmem:$0x1FAA0]  }
0x2f4: {  	[tilespmem:s5+$0xFFFFFD90] =	vst v9;
	v22 =	vadd.f32 v22, v25;
	v25 =	vld [tilespmem:$0x1FAD0]  }
0x2f5: {  	[tilespmem:s5+$0xFFFFFE90] =	vst v18;
	v21 =	vld.idx.msk [tilespmem:v21+s6+$0x0], $0xffff  }
0x2f6: {  	v24 =	vld.idx.msk [tilespmem:v24+s6+$0x0], $0xffff;
	[tilespmem:s5+$0xFFFFFF90] =	vst v3;
	v3 =	vor.u32 v61, v43  }
0x2f7: {  	v15 =	vadd.f32 v15, v20;
	v20 =	vld.idx.msk [tilespmem:v29+s6+$0x0], $0xffff  }
0x2f8: {  	v0 =	vadd.f32 v57, v63;
	v57 =	vld [tilespmem:$0x1FAC0]  }
0x2f9: {  	v2 =	vadd.f32 v2, v25;
	v25 =	vld [tilespmem:$0x1FAE0]  }
0x2fa: {  	[tilespmem:s5+$0x110] =	vst v22;
	v29 =	vld [tilespmem:$0x1FB10]  }
0x2fb: {  	[tilespmem:s5+$0x380] =	vst v11;
	v3 =	vld.idx.msk [tilespmem:v3+s6+$0x0], $0xffff  }
0x2fc: {  	[tilespmem:s5+$0x320] =	vst v0;
	v19 =	vld.idx.msk [tilespmem:v44+s6+$0x0], $0xffff  }
0x2fd: {  	[tilespmem:s5+$0xFFFFFE10] =	vst v15;
	v58 =	vld.idx.msk [tilespmem:v32+s6+$0x0], $0xffff  }
0x2fe: {  	[tilespmem:s5+$0xFFFFFC90] =	vst v1;
	v1 =	vld.idx.msk [tilespmem:v39+s6+$0x0], $0xffff  }
0x2ff: {  	v63 =	vor.u32 v61, v49;
	v44 =	vld [tilespmem:$0x1FCC0]  }
0x300: {  	v39 =	vld [tilespmem:$0x1FB40]  }
0x301: {  	[tilespmem:s5+$0xFFFFFD10] =	vst v10;
	v13 =	vadd.f32 v45, v35;
	v11 =	vadd.f32 v20, v41;
	v20 =	vld.idx.msk [tilespmem:v59+s6+$0x0], $0xffff  }
0x302: {  	v59 =	vld.idx.msk [tilespmem:v60+s6+$0x0], $0xffff  }
0x303: {  	[tilespmem:s5+$0x10] =	vst v13;
	v32 =	vor.u32 v61, v46;
	v14 =	vadd.f32 v36, v25;
	v25 =	vld [tilespmem:$0x1FC80]  }
0x304: {  	v15 =	vld.idx.msk [tilespmem:v63+s6+$0x0], $0xffff  }
0x305: {  	v35 =	vor.u32 v61, v42;
	v41 =	vmov s20;
	v36 =	vld [tilespmem:$0x1FB60]  }
0x306: {  	v10 =	vadd.f32 v12, v57;
	v60 =	vor.u32 v61, v50;
	v12 =	vand.u32 $0xFFFFFFF0, v41;
	v41 =	vld [tilespmem:$0x1FAF0]  }
0x307: {  	[tilespmem:s5+$0x90] =	vst v11;
	v19 =	vadd.f32 v19, v23;
	v23 =	vld [tilespmem:$0x1FCB0]  }
0x308: {  	v18 =	vld.idx.msk [tilespmem:v32+s6+$0x0], $0xffff  }
0x309: {  	[tilespmem:s5+$0x190] =	vst v10;
	v1 =	vadd.f32 v1, v26;
	v26 =	vld [tilespmem:$0x1FCF0]  }
0x30a: {  	v45 =	vor.u32 v61, v53;
	v8 =	vadd.f32 v58, v8;
	v13 =	vld.idx.msk [tilespmem:v35+s6+$0x0], $0xffff  }
0x30b: {  	v9 =	vld.idx.msk [tilespmem:v60+s6+$0x0], $0xffff  }
0x30c: {  	v16 =	vadd.f32 v37, v25;
	v25 =	vld [tilespmem:$0x1FCD0];
	[tilespmem:s5+$0x330] =	vst v8;
	v8 =	vor.u32 v61, v34  }
0x30d: {  	v17 =	vadd.f32 v59, v44;
	v59 =	vld [tilespmem:$0x1FB50];
	[tilespmem:s5+$0xFFFFFE20] =	vst v1  }
0x30e: {  	v27 =	vor.u32 v56, v54;
	v30 =	vld.idx.msk [tilespmem:v30+s6+$0x0], $0xffff  }
0x30f: {  	s9 =	sadd.s32 $0xF, s20;
	v22 =	vmul.f32 v33, v6;
	[tilespmem:s5+$0x210] =	vst v2;
	v20 =	vadd.f32 v20, v23;
	v23 =	vld.idx.msk [tilespmem:v45+s6+$0x0], $0xffff  }
0x310: {  	v0 =	vmov s9;
	[tilespmem:s5+$0xFFFFFC10] =	vst v16;
	v9 =	vadd.f32 v9, v29;
	v29 =	vld [tilespmem:$0x1FB20]  }
0x311: {  	s9 =	sadd.s32 $0x1, s20;
	v57 =	vor.u32 v56, v48;
	v48 =	vor.u32 v56, v42;
	v13 =	vadd.f32 v13, v22;
	v8 =	vld.idx.msk [tilespmem:v8+s6+$0x0], $0xffff  }
0x312: {  	v24 =	vadd.f32 v24, v26;
	v26 =	vmov s9;
	s9 =	sadd.s32 $0x2, s20;
	[tilespmem:s5+$0xFFFFFCA0] =	vst v20;
	v20 =	vor.u32 v56, v52;
	v52 =	vld [tilespmem:$0x1FCA0]  }
0x313: {  	v45 =	vor.u32 v61, v40;
	v2 =	vmov s9;
	s9 =	sadd.s32 $0x3, s20;
	[tilespmem:s5+$0x1A0] =	vst v13;
	v13 =	vld [tilespmem:$0x1FC10]  }
0x314: {  	v21 =	vadd.f32 v21, v25;
	v54 =	vmov s9;
	v27 =	vld.idx.msk [tilespmem:v27+s6+$0x0], $0xffff  }
0x315: {  	[tilespmem:s5+$0x290] =	vst v14;
	v14 =	vand.u32 $0xFFFFFFF3, v54;
	v54 =	vld [tilespmem:$0x1FB80]  }
0x316: {  	[tilespmem:s5+$0xFFFFFDA0] =	vst v21;
	v21 =	vor.u32 v56, v50;
	v50 =	vld [tilespmem:$0x1FC90]  }
0x317: {  	v25 =	vor.u32 v61, v38;
	[tilespmem:s5+$0xFFFFFFA0] =	vst v9;
	v9 =	vld.idx.msk [tilespmem:v48+s6+$0x0], $0xffff  }
0x318: {  	[tilespmem:s5+$0x390] =	vst v19;
	v11 =	vld.idx.msk [tilespmem:v45+s6+$0x0], $0xffff  }
0x319: {  	[tilespmem:s5+$0xFFFFFEA0] =	vst v24;
	v24 =	vor.u32 v56, v46;
	v32 =	vld.idx.msk [tilespmem:v59+s6+$0x0], $0xffff  }
0x31a: {  	v16 =	vld.idx.msk [tilespmem:v57+s6+$0x0], $0xffff  }
0x31b: {  	v63 =	vor.u32 v56, v53;
	v18 =	vadd.f32 v18, v31;
	v45 =	vor.u32 v56, v49;
	v49 =	vld [tilespmem:$0x1FB70]  }
0x31c: {  	v25 =	vld.idx.msk [tilespmem:v25+s6+$0x0], $0xffff  }
0x31d: {  	[tilespmem:s5+$0xA0] =	vst v18;
	v23 =	vadd.f32 v23, v28;
	v20 =	vld.idx.msk [tilespmem:v20+s6+$0x0], $0xffff  }
0x31e: {  	v26 =	vand.u32 $0xFFFFFFF1, v26;
	v28 =	vor.u32 v56, v51;
	v24 =	vld.idx.msk [tilespmem:v24+s6+$0x0], $0xffff  }
0x31f: {  	v3 =	vadd.f32 v3, v36;
	s9 =	sadd.s32 $0x4, s20;
	v26 =	vbroadcast v26, $0x0;
	[tilespmem:s5+$0xFFFFFF20] =	vst v23;
	v23 =	vor.u32 v56, v43;
	v43 =	vld [tilespmem:$0x1FC20]  }
0x320: {  	[tilespmem:s5+$0xFFFFFD20] =	vst v17;
	v15 =	vadd.f32 v15, v29;
	v29 =	vmov s9;
	s9 =	sadd.s32 $0x5, s20;
	v17 =	vld.idx.msk [tilespmem:v63+s6+$0x0], $0xffff  }
0x321: {  	v10 =	vmul.f32 v41, v6;
	[tilespmem:s5+$0x120] =	vst v3;
	v58 =	vmov s9;
	v3 =	vand.u32 $0xFFFFFFF4, v29;
	v29 =	vld [tilespmem:$0x1FB90]  }
0x322: {  	v51 =	vor.u32 v56, v40;
	v27 =	vadd.f32 v27, v50;
	v57 =	vand.u32 $0xFFFFFFF5, v58;
	v58 =	vld [tilespmem:$0x1FBB0]  }
0x323: {  	v28 =	vld.idx.msk [tilespmem:v28+s6+$0x0], $0xffff  }
0x324: {  	v53 =	vor.u32 v56, v38;
	v10 =	vadd.f32 v11, v10;
	[tilespmem:s5+$0xFFFFFCB0] =	vst v27;
	v27 =	vld [tilespmem:$0x1FC00]  }
0x325: {  	v12 =	vbroadcast v12, $0x0;
	v31 =	vmul.f32 v39, v6;
	[tilespmem:s5+$0x20] =	vst v15;
	v32 =	vadd.f32 v32, v49;
	v38 =	vld.idx.msk [tilespmem:v26+s24+$0x0], $0xffff  }
0x326: {  	v2 =	vand.u32 $0xFFFFFFF2, v2;
	v8 =	vadd.f32 v8, v47;
	s9 =	sadd.s32 $0x6, s20;
	[tilespmem:s5+$0x220] =	vst v10;
	v29 =	vadd.f32 v30, v29;
	v30 =	vld [tilespmem:$0x1FBA0]  }
0x327: {  	v2 =	vbroadcast v2, $0x0;
	v60 =	vmov s9;
	v16 =	vadd.f32 v16, v54;
	[tilespmem:s5+$0x3A0] =	vst v32;
	v15 =	vld.idx.msk [tilespmem:v51+s6+$0x0], $0xffff  }
0x328: {  	s9 =	sadd.s32 $0x7, s20;
	[tilespmem:s5+$0xFFFFFC20] =	vst v8;
	v59 =	vand.u32 $0xFFFFFFF6, v60;
	v25 =	vadd.f32 v25, v31;
	v60 =	vld.idx.msk [tilespmem:v0+s24+$0x0], $0xffff  }
0x329: {  	v44 =	vmov s9;
	s9 =	sadd.s32 $0x8, s20;
	[tilespmem:s5+$0xFFFFFDB0] =	vst v16;
	v19 =	vadd.f32 v20, v58;
	v20 =	vld [tilespmem:$0x1FBC0]  }
0x32a: {  	v21 =	vld.idx.msk [tilespmem:v21+s6+$0x0], $0xffff;
	v22 =	vmov s9;
	s9 =	sadd.s32 $0x9, s20;
	[tilespmem:s5+$0x2A0] =	vst v25;
	v28 =	vadd.f32 v28, v52  }
0x32b: {  	v34 =	vor.u32 v56, v34;
	v1 =	vld.idx.msk [tilespmem:v45+s6+$0x0], $0xffff;
	v11 =	vmov s9;
	[tilespmem:s5+$0xFFFFFE30] =	vst v29  }
0x32c: {  	v25 =	vand.u32 $0xFFFFFFF7, v44;
	v44 =	vld.idx.msk [tilespmem:v12+s24+$0x0], $0xffff;
	[tilespmem:s5+$0xFFFFFD30] =	vst v28;
	v28 =	vmul.f32 v41, v7;
	v30 =	vmul.f32 v30, v7  }
0x32d: {  	v36 =	vbroadcast v14, $0x0;
	v11 =	vand.u32 $0xFFFFFFF9, v11;
	[tilespmem:s5+$0xFFFFFEB0] =	vst v19;
	v14 =	vmul.f32 v38, v7;
	v40 =	vld.idx.msk [tilespmem:v2+s24+$0x0], $0xffff  }
0x32e: {  	v54 =	vmovc v60;
	v20 =	vmul.f32 v20, v7;
	v16 =	vadd.f32 v15, v28;
	v17 =	vadd.f32 v17, v30;
	v30 =	vld [tilespmem:$0x1FBD0]  }
0x32f: {  	v50 =	vbroadcast v11, $0x0;
	v27 =	vld.idx.msk [tilespmem:v27+s6+$0x0], $0xffff;
	v11 =	vmul.f32 v54, v55;
	[tilespmem:$0x1FC90] =	vst v14  }
0x330: {  	s9 =	sadd.s32 $0xA, s20;
	v8 =	vadd.f32 v21, v20;
	v20 =	vld [tilespmem:$0x1FBE0];
	[tilespmem:s5+$0x230] =	vst v16  }
0x331: {  	v47 =	vbroadcast v59, $0x0;
	v10 =	vmul.f32 v43, v7;
	v31 =	vmov s9;
	s9 =	sadd.s32 $0xB, s20;
	v21 =	vld.idx.msk [tilespmem:v34+s6+$0x0], $0xffff;
	[tilespmem:$0x1FC60] =	vst v11  }
0x332: {  	v51 =	vmov s9;
	v48 =	vbroadcast v25, $0x0;
	v34 =	vld.idx.msk [tilespmem:v12+s23+$0x0], $0xffff;
	v12 =	vmul.f32 v44, v55;
	[tilespmem:s5+$0xFFFFFF30] =	vst v17  }
0x333: {  	s9 =	sadd.s32 $0xC, s20;
	v18 =	vld.idx.msk [tilespmem:v53+s6+$0x0], $0xffff;
	v53 =	vand.u32 $0xFFFFFFFB, v51;
	v16 =	vmul.f32 v38, v6;
	[tilespmem:s5+$0xFFFFFFB0] =	vst v8;
	v30 =	vmul.f32 v30, v7  }
0x334: {  	v37 =	vmovc v33;
	v23 =	vld.idx.msk [tilespmem:v23+s6+$0x0], $0xffff;
	v41 =	vbroadcast v57, $0x0;
	v57 =	vmov s9;
	[tilespmem:$0x1FC70] =	vst v12;
	v15 =	vmul.f32 v40, v7  }
0x335: {  	[tilespmem:$0x1FCB0] =	vst v16;
	v17 =	vmul.f32 v40, v6;
	v20 =	vmul.f32 v20, v7;
	v1 =	vadd.f32 v1, v30;
	v30 =	vld [tilespmem:$0x1FBF0]  }
0x336: {  	v33 =	vld.idx.msk [tilespmem:v0+s23+$0x0], $0xffff;
	v58 =	vand.u32 $0xFFFFFFFC, v57;
	v8 =	vadd.f32 v27, v10;
	v10 =	vmul.f32 v44, v6;
	[tilespmem:$0x1FCA0] =	vst v15  }
0x337: {  	v42 =	vld.idx.msk [tilespmem:v36+s24+$0x0], $0xffff;
	[tilespmem:$0x1FCC0] =	vst v17;
	v20 =	vadd.f32 v24, v20;
	v24 =	vmul.f32 v37, v7;
	v37 =	vbroadcast v3, $0x0  }
0x338: {  	v45 =	vand.u32 $0xFFFFFFF8, v22;
	v25 =	vld.idx.msk [tilespmem:v26+s23+$0x0], $0xffff;
	v52 =	vbroadcast v53, $0x0;
	v53 =	vbroadcast v58, $0x0;
	[tilespmem:$0x1FC50] =	vst v10  }
0x339: {  	v49 =	vbroadcast v45, $0x0;
	v45 =	vld.idx.msk [tilespmem:v47+s24+$0x0], $0xffff;
	[tilespmem:s5+$0x3B0] =	vst v8;
	v3 =	vmul.f32 v39, v7  }
0x33a: {  	s9 =	sadd.s32 $0xD, s20;
	[tilespmem:s5+$0x30] =	vst v1;
	v63 =	vadd.f32 v9, v24;
	v9 =	vmul.f32 v13, v7;
	v30 =	vmul.f32 v30, v7  }
0x33b: {  	v46 =	vand.u32 $0xFFFFFFFA, v31;
	v59 =	vmov s9;
	v57 =	vld.idx.msk [tilespmem:v48+s24+$0x0], $0xffff;
	v3 =	vadd.f32 v18, v3;
	[tilespmem:s5+$0xB0] =	vst v20  }
0x33c: {  	v9 =	vadd.f32 v21, v9;
	v21 =	vbroadcast v46, $0x0;
	v46 =	vld.idx.msk [tilespmem:v41+s24+$0x0], $0xffff;
	[tilespmem:s5+$0x1B0] =	vst v63;
	v23 =	vadd.f32 v23, v30  }
0x33d: {  	v60 =	vand.u32 $0xFFFFFFFD, v59;
	v13 =	vmul.f32 v44, v5;
	[tilespmem:s5+$0x2B0] =	vst v3;
	v43 =	vld.idx.msk [tilespmem:v37+s24+$0x0], $0xffff  }
0x33e: {  	v29 =	vld.idx.msk [tilespmem:v53+s24+$0x0], $0xffff;
	v18 =	vmul.f32 v42, v6;
	[tilespmem:s5+$0x130] =	vst v23;
	v23 =	vbroadcast v60, $0x0  }
0x33f: {  	p0 =	slt.u32 s20, $0xF0;
	v31 =	vld.idx.msk [tilespmem:v49+s24+$0x0], $0xffff;
	v63 =	vmul.f32 v54, v5;
	[tilespmem:$0x1FC80] =	vst v13  }
.Ltmp4:
0x340: {  	v24 =	vld.idx.msk [tilespmem:v2+s23+$0x0], $0xffff;
	[tilespmem:$0x1FCD0] =	vst v18;
	(pc) =	sbr.rel @p0 .LBB2_7-.Ltmp4, $4  }
0x341: {  	v32 =	vld.idx.msk [tilespmem:v50+s24+$0x0], $0xffff;
	[tilespmem:$0x1FC40] =	vst v63;
	v51 =	vmul.f32 v46, v6  }
0x342: {  	v35 =	vld.idx.msk [tilespmem:v52+s24+$0x0], $0xffff;
	[tilespmem:s5+$0xFFFFFC30] =	vst v9;
	v19 =	vmul.f32 v43, v6  }
0x343: {  	v59 =	vmul.f32 v54, v6;
	v63 =	vmul.f32 v42, v7;
	v39 =	vld.idx.msk [tilespmem:v21+s24+$0x0], $0xffff;
	[tilespmem:$0x1FCF0] =	vst v51  }
0x344: {  	v62 =	vlaneseq.u32;
	s9 =	sadd.s32 $0xE, s20;
	s20 =	sadd.s32 $0x10, s20;
	v58 =	vmul.f32 v46, v7;
	v60 =	vmul.f32 v43, v7;
	[tilespmem:$0x1FCE0] =	vst v19;
	v30 =	vld.idx.msk [tilespmem:v23+s24+$0x0], $0xffff  }
0x345: {  	_ =	sdelay $0x1  }
0x346: {  	v0 =	vmov s9  }
0x347: {  	v0 =	vand.u32 $0xFFFFFFFE, v0  }
0x348: {  	v1 =	vld.idx.msk [tilespmem:v36+s23+$0x0], $0xffff;
	v0 =	vbroadcast v0, $0x0  }
0x349: {  	v3 =	vld.idx.msk [tilespmem:v37+s23+$0x0], $0xffff  }
0x34a: {  	v9 =	vld.idx.msk [tilespmem:v41+s23+$0x0], $0xffff  }
0x34b: {  	v10 =	vld.idx.msk [tilespmem:v47+s23+$0x0], $0xffff  }
0x34c: {  	v11 =	vld.idx.msk [tilespmem:v48+s23+$0x0], $0xffff  }
0x34d: {  	v12 =	vld.idx.msk [tilespmem:v49+s23+$0x0], $0xffff  }
0x34e: {  	v33 =	vshll.u32 v33, $0x7;
	v2 =	vld.idx.msk [tilespmem:v0+s23+$0x0], $0xffff  }
0x34f: {  	v13 =	vld.idx.msk [tilespmem:v50+s23+$0x0], $0xffff;
	v48 =	vshll.u32 v24, $0x7;
	v18 =	vor.u32 v62, v33  }
0x350: {  	v14 =	vld.idx.msk [tilespmem:v21+s23+$0x0], $0xffff;
	v34 =	vshll.u32 v34, $0x7;
	v20 =	vor.u32 v62, v48  }
0x351: {  	v17 =	vld.idx.msk [tilespmem:v52+s23+$0x0], $0xffff;
	v49 =	vor.u32 v62, v34  }
0x352: {  	v19 =	vld.idx.msk [tilespmem:v53+s23+$0x0], $0xffff;
	v41 =	vshll.u32 v3, $0x7  }
0x353: {  	v22 =	vld.idx.msk [tilespmem:v23+s23+$0x0], $0xffff;
	v28 =	vor.u32 v62, v41;
	v8 =	vshll.u32 v2, $0x7  }
0x354: {  	v36 =	vshll.u32 v10, $0x7;
	v10 =	vld.idx.msk [tilespmem:v18+s6+$0x0], $0xffff;
	v2 =	vshll.u32 v25, $0x7;
	v15 =	vor.u32 v62, v8  }
0x355: {  	v47 =	vshll.u32 v1, $0x7;
	v20 =	vld.idx.msk [tilespmem:v20+s6+$0x0], $0xffff;
	v16 =	vor.u32 v62, v2  }
0x356: {  	v3 =	vshll.u32 v12, $0x7;
	v21 =	vor.u32 v62, v47;
	v24 =	vld.idx.msk [tilespmem:v49+s6+$0x0], $0xffff  }
0x357: {  	v1 =	vshll.u32 v9, $0x7;
	v27 =	vor.u32 v62, v3;
	v0 =	vld.idx.msk [tilespmem:v0+s24+$0x0], $0xffff  }
0x358: {  	v12 =	vmul.f32 v40, v55;
	v53 =	vor.u32 v62, v1;
	v23 =	vld.idx.msk [tilespmem:v28+s6+$0x0], $0xffff  }
0x359: {  	v18 =	vor.u32 v62, v36;
	v52 =	vld.idx.msk [tilespmem:v15+s6+$0x0], $0xffff  }
0x35a: {  	v51 =	vmul.f32 v38, v55;
	v37 =	vshll.u32 v11, $0x7;
	v12 =	vadd.f32 v12, v20;
	v15 =	vld.idx.msk [tilespmem:v16+s6+$0x0], $0xffff  }
0x35b: {  	s5 =	sadd.s32 $0x800, s5;
	v26 =	vor.u32 v62, v37;
	v49 =	vshll.u32 v13, $0x7;
	v21 =	vld.idx.msk [tilespmem:v21+s6+$0x0], $0xffff;
	v28 =	vmul.f32 v43, v55  }
0x35c: {  	v20 =	vor.u32 v62, v49;
	v50 =	vmul.f32 v0, v55;
	[tilespmem:s5+$0xFFFFFD00] =	vst v12;
	v12 =	vld.idx.msk [tilespmem:v27+s6+$0x0], $0xffff  }
0x35d: {  	v27 =	vmul.f32 v38, v5;
	v38 =	vshll.u32 v22, $0x7;
	v13 =	vor.u32 v4, v2;
	v16 =	vld.idx.msk [tilespmem:v53+s6+$0x0], $0xffff  }
0x35e: {  	v18 =	vld.idx.msk [tilespmem:v18+s6+$0x0], $0xffff;
	v28 =	vadd.f32 v28, v23;
	v9 =	vadd.f32 v50, v52;
	v52 =	vmul.f32 v42, v55  }
0x35f: {  	v23 =	vor.u32 v4, v48;
	v53 =	vmul.f32 v46, v55;
	v15 =	vadd.f32 v51, v15  }
0x360: {  	v50 =	vshll.u32 v14, $0x7;
	v14 =	vor.u32 v4, v47;
	v11 =	vadd.f32 v52, v21;
	v21 =	vld.idx.msk [tilespmem:v26+s6+$0x0], $0xffff  }
0x361: {  	v51 =	vshll.u32 v17, $0x7;
	v17 =	vor.u32 v62, v38;
	[tilespmem:s5+$0xFFFFFC80] =	vst v15;
	v15 =	vmul.f32 v45, v55  }
0x362: {  	[tilespmem:s5+$0xFFFFFE00] =	vst v28;
	v16 =	vadd.f32 v53, v16;
	v25 =	vor.u32 v62, v50;
	v13 =	vld.idx.msk [tilespmem:v13+s6+$0x0], $0xffff  }
0x363: {  	[tilespmem:s5+$0xFFFFFD80] =	vst v11;
	v11 =	vmul.f32 v57, v55;
	v15 =	vadd.f32 v15, v18;
	v18 =	vld.idx.msk [tilespmem:v20+s6+$0x0], $0xffff  }
0x364: {  	[tilespmem:s5+$0x300] =	vst v9;
	v9 =	vor.u32 v4, v8;
	v20 =	vld.idx.msk [tilespmem:v23+s6+$0x0], $0xffff  }
0x365: {  	[tilespmem:s5+$0xFFFFFE80] =	vst v16;
	v16 =	vor.u32 v62, v51;
	v14 =	vld.idx.msk [tilespmem:v14+s6+$0x0], $0xffff;
	v11 =	vadd.f32 v11, v21  }
0x366: {  	v28 =	vmul.f32 v31, v55;
	v52 =	vshll.u32 v19, $0x7;
	v19 =	vor.u32 v4, v41;
	v17 =	vld.idx.msk [tilespmem:v17+s6+$0x0], $0xffff;
	[tilespmem:s5+$0xFFFFFF00] =	vst v15  }
0x367: {  	v22 =	vld.idx.msk [tilespmem:v25+s6+$0x0], $0xffff;
	[tilespmem:s5+$0xFFFFFF80] =	vst v11  }
0x368: {  	v12 =	vadd.f32 v28, v12;
	v11 =	vor.u32 v4, v1;
	v28 =	vld [tilespmem:$0x1FC60]  }
0x369: {  	v53 =	vmul.f32 v32, v55;
	v9 =	vld.idx.msk [tilespmem:v9+s6+$0x0], $0xffff  }
0x36a: {  	v23 =	vmul.f32 v40, v5;
	v40 =	vmul.f32 v39, v55;
	v15 =	vor.u32 v62, v52;
	v16 =	vld.idx.msk [tilespmem:v16+s6+$0x0], $0xffff  }
0x36b: {  	v26 =	vmul.f32 v0, v5;
	v19 =	vld.idx.msk [tilespmem:v19+s6+$0x0], $0xffff;
	v21 =	vor.u32 v4, v36;
	v18 =	vadd.f32 v53, v18  }
0x36c: {  	v20 =	vadd.f32 v20, v23;
	[tilespmem:s5+$0x0] =	vst v12;
	v12 =	vadd.f32 v40, v22;
	v22 =	vor.u32 v61, v8  }
0x36d: {  	v11 =	vld.idx.msk [tilespmem:v11+s6+$0x0], $0xffff;
	v10 =	vadd.f32 v28, v10;
	v28 =	vmul.f32 v42, v5;
	v42 =	vmul.f32 v35, v55  }
0x36e: {  	v53 =	vmul.f32 v46, v5;
	[tilespmem:s5+$0x80] =	vst v18;
	v40 =	vmul.f32 v30, v55;
	v9 =	vadd.f32 v9, v26  }
0x36f: {  	v23 =	vor.u32 v4, v37;
	v15 =	vld.idx.msk [tilespmem:v15+s6+$0x0], $0xffff;
	[tilespmem:s5+$0x100] =	vst v12;
	v16 =	vadd.f32 v42, v16  }
0x370: {  	v46 =	vor.u32 v4, v50;
	v21 =	vld.idx.msk [tilespmem:v21+s6+$0x0], $0xffff;
	v17 =	vadd.f32 v40, v17;
	[tilespmem:s5+$0x310] =	vst v9  }
0x371: {  	v43 =	vmul.f32 v43, v5;
	v22 =	vld.idx.msk [tilespmem:v22+s6+$0x0], $0xffff;
	v42 =	vor.u32 v4, v3;
	[tilespmem:s5+$0x180] =	vst v16  }
0x372: {  	v13 =	vadd.f32 v13, v27;
	v27 =	vor.u32 v4, v52;
	v11 =	vadd.f32 v11, v53;
	v53 =	vld [tilespmem:$0x1FC70];
	[tilespmem:s5+$0x280] =	vst v17  }
0x373: {  	v12 =	vor.u32 v4, v49;
	v14 =	vadd.f32 v14, v28;
	v28 =	vmul.f32 v29, v55;
	[tilespmem:s5+$0x380] =	vst v10  }
0x374: {  	v18 =	vor.u32 v4, v51;
	v8 =	vor.u32 v56, v8;
	v23 =	vld.idx.msk [tilespmem:v23+s6+$0x0], $0xffff;
	[tilespmem:s5+$0xFFFFFC90] =	vst v13  }
0x375: {  	v40 =	vmul.f32 v0, v6;
	v26 =	vld.idx.msk [tilespmem:v46+s6+$0x0], $0xffff;
	v9 =	vadd.f32 v28, v15;
	[tilespmem:s5+$0xFFFFFD10] =	vst v20  }
0x376: {  	v19 =	vadd.f32 v19, v43;
	v43 =	vmul.f32 v45, v5;
	[tilespmem:s5+$0xFFFFFD90] =	vst v14;
	v25 =	vld.idx.msk [tilespmem:v42+s6+$0x0], $0xffff  }
0x377: {  	v46 =	vmul.f32 v31, v5;
	[tilespmem:s5+$0x200] =	vst v9;
	v9 =	vor.u32 v4, v38;
	v17 =	vadd.f32 v22, v40  }
0x378: {  	v12 =	vld.idx.msk [tilespmem:v12+s6+$0x0], $0xffff;
	v16 =	vor.u32 v4, v33;
	[tilespmem:s5+$0xFFFFFE10] =	vst v19;
	v24 =	vadd.f32 v53, v24  }
0x379: {  	v15 =	vadd.f32 v21, v43;
	v18 =	vld.idx.msk [tilespmem:v18+s6+$0x0], $0xffff;
	v42 =	vor.u32 v4, v34;
	[tilespmem:s5+$0x320] =	vst v17  }
0x37a: {  	v43 =	vmul.f32 v57, v5;
	v27 =	vld.idx.msk [tilespmem:v27+s6+$0x0], $0xffff;
	[tilespmem:s5+$0xFFFFFC00] =	vst v24;
	v24 =	vor.u32 v61, v2  }
0x37b: {  	v8 =	vld.idx.msk [tilespmem:v8+s6+$0x0], $0xffff;
	v53 =	vmul.f32 v32, v5;
	v22 =	vadd.f32 v25, v46;
	v46 =	vor.u32 v61, v41  }
0x37c: {  	v28 =	vmul.f32 v39, v5;
	v23 =	vadd.f32 v23, v43;
	[tilespmem:s5+$0xFFFFFE90] =	vst v11;
	v9 =	vld.idx.msk [tilespmem:v9+s6+$0x0], $0xffff  }
0x37d: {  	v40 =	vor.u32 v61, v48;
	[tilespmem:s5+$0xFFFFFF10] =	vst v15;
	v10 =	vadd.f32 v12, v53;
	v53 =	vld.idx.msk [tilespmem:v16+s6+$0x0], $0xffff  }
0x37e: {  	[tilespmem:s5+$0xFFFFFF90] =	vst v23;
	v21 =	vld.idx.msk [tilespmem:v42+s6+$0x0], $0xffff  }
0x37f: {  	v12 =	vadd.f32 v26, v28;
	v26 =	vor.u32 v61, v36;
	[tilespmem:s5+$0x10] =	vst v22;
	v16 =	vld.idx.msk [tilespmem:v24+s6+$0x0], $0xffff  }
0x380: {  	v42 =	vor.u32 v61, v47;
	[tilespmem:s5+$0x90] =	vst v10;
	v14 =	vld.idx.msk [tilespmem:v46+s6+$0x0], $0xffff  }
0x381: {  	v43 =	vmul.f32 v35, v5;
	v24 =	vor.u32 v61, v1;
	v46 =	vld [tilespmem:$0x1FC40]  }
0x382: {  	v0 =	vmul.f32 v0, v7;
	v17 =	vld.idx.msk [tilespmem:v40+s6+$0x0], $0xffff  }
0x383: {  	v18 =	vadd.f32 v18, v43;
	v43 =	vld [tilespmem:$0x1FC80]  }
0x384: {  	v0 =	vadd.f32 v8, v0;
	v8 =	vor.u32 v61, v37;
	v11 =	vld.idx.msk [tilespmem:v26+s6+$0x0], $0xffff  }
0x385: {  	v42 =	vld.idx.msk [tilespmem:v42+s6+$0x0], $0xffff  }
0x386: {  	v28 =	vmul.f32 v29, v5;
	[tilespmem:s5+$0x330] =	vst v0;
	v13 =	vadd.f32 v53, v46;
	v53 =	vld.idx.msk [tilespmem:v24+s6+$0x0], $0xffff  }
0x387: {  	v25 =	vor.u32 v61, v49;
	v24 =	vld [tilespmem:$0x1FCB0];
	[tilespmem:s5+$0x110] =	vst v12  }
0x388: {  	v40 =	vmul.f32 v30, v5;
	v15 =	vadd.f32 v27, v28;
	v27 =	vld [tilespmem:$0x1FCD0]  }
0x389: {  	v10 =	vor.u32 v61, v3;
	v8 =	vld.idx.msk [tilespmem:v8+s6+$0x0], $0xffff  }
0x38a: {  	v2 =	vor.u32 v56, v2;
	v28 =	vor.u32 v61, v50;
	v9 =	vadd.f32 v9, v40;
	v26 =	vld [tilespmem:$0x1FCC0];
	[tilespmem:s5+$0x190] =	vst v18  }
0x38b: {  	v20 =	vadd.f32 v21, v43;
	v43 =	vmul.f32 v45, v6;
	v46 =	vor.u32 v61, v52;
	v40 =	vld [tilespmem:$0x1FCE0];
	[tilespmem:s5+$0x210] =	vst v15  }
0x38c: {  	v1 =	vor.u32 v56, v1;
	v12 =	vld.idx.msk [tilespmem:v25+s6+$0x0], $0xffff;
	v25 =	vor.u32 v61, v34;
	[tilespmem:s5+$0x290] =	vst v9  }
0x38d: {  	v11 =	vadd.f32 v11, v43;
	v22 =	vld [tilespmem:$0x1FCF0];
	[tilespmem:s5+$0xFFFFFC10] =	vst v20;
	v19 =	vadd.f32 v42, v27;
	v42 =	vor.u32 v61, v51  }
0x38e: {  	v10 =	vld.idx.msk [tilespmem:v10+s6+$0x0], $0xffff;
	v43 =	vor.u32 v56, v47;
	[tilespmem:s5+$0x390] =	vst v13;
	v16 =	vadd.f32 v16, v24  }
0x38f: {  	v47 =	vor.u32 v56, v41;
	v18 =	vld.idx.msk [tilespmem:v28+s6+$0x0], $0xffff;
	[tilespmem:s5+$0xFFFFFF20] =	vst v11;
	v17 =	vadd.f32 v17, v26  }
0x390: {  	v24 =	vor.u32 v61, v38;
	v9 =	vld.idx.msk [tilespmem:v46+s6+$0x0], $0xffff;
	v46 =	vmul.f32 v39, v6;
	[tilespmem:s5+$0xFFFFFCA0] =	vst v16  }
0x391: {  	v15 =	vld.idx.msk [tilespmem:v25+s6+$0x0], $0xffff;
	v26 =	vmul.f32 v31, v6;
	v14 =	vadd.f32 v14, v40;
	[tilespmem:s5+$0xFFFFFD20] =	vst v17  }
0x392: {  	v0 =	vadd.f32 v53, v22;
	v53 =	vmul.f32 v57, v6;
	[tilespmem:s5+$0xFFFFFDA0] =	vst v19;
	v28 =	vld.idx.msk [tilespmem:v42+s6+$0x0], $0xffff  }
0x393: {  	v27 =	vor.u32 v61, v33;
	v40 =	vor.u32 v56, v48;
	v10 =	vadd.f32 v10, v26;
	[tilespmem:s5+$0xFFFFFE20] =	vst v14  }
0x394: {  	v2 =	vld.idx.msk [tilespmem:v2+s6+$0x0], $0xffff;
	v8 =	vadd.f32 v8, v53;
	[tilespmem:s5+$0xFFFFFEA0] =	vst v0;
	v42 =	vmul.f32 v32, v6  }
0x395: {  	v48 =	vmul.f32 v35, v6;
	v20 =	vld.idx.msk [tilespmem:v24+s6+$0x0], $0xffff;
	v0 =	vadd.f32 v18, v46;
	[tilespmem:s5+$0x20] =	vst v10  }
0x396: {  	v24 =	vld.idx.msk [tilespmem:v43+s6+$0x0], $0xffff;
	[tilespmem:s5+$0xFFFFFFA0] =	vst v8;
	v12 =	vadd.f32 v12, v42  }
0x397: {  	v25 =	vor.u32 v56, v37;
	v26 =	vld.idx.msk [tilespmem:v47+s6+$0x0], $0xffff;
	[tilespmem:s5+$0x120] =	vst v0;
	v8 =	vadd.f32 v28, v48  }
0x398: {  	v41 =	vor.u32 v56, v51;
	v16 =	vld.idx.msk [tilespmem:v27+s6+$0x0], $0xffff;
	[tilespmem:s5+$0xA0] =	vst v12  }
0x399: {  	v53 =	vmul.f32 v29, v6;
	v1 =	vld.idx.msk [tilespmem:v1+s6+$0x0], $0xffff;
	[tilespmem:s5+$0x1A0] =	vst v8  }
0x39a: {  	v8 =	vld [tilespmem:$0x1FC50]  }
0x39b: {  	v3 =	vor.u32 v56, v3;
	v22 =	vmul.f32 v30, v6;
	v61 =	vld.idx.msk [tilespmem:v40+s6+$0x0], $0xffff;
	v9 =	vadd.f32 v9, v53  }
0x39c: {  	v23 =	vor.u32 v56, v36;
	v0 =	vld.idx.msk [tilespmem:v25+s6+$0x0], $0xffff  }
0x39d: {  	v40 =	vor.u32 v56, v50;
	v12 =	vadd.f32 v20, v22;
	[tilespmem:s5+$0x220] =	vst v9;
	v50 =	vld.idx.msk [tilespmem:v41+s6+$0x0], $0xffff  }
0x39e: {  	v42 =	vor.u32 v56, v52;
	v27 =	vadd.f32 v16, v59;
	v36 =	vld [tilespmem:$0x1FC90]  }
0x39f: {  	v28 =	vor.u32 v56, v49;
	v37 =	vld [tilespmem:$0x1FCA0];
	[tilespmem:s5+$0x2A0] =	vst v12;
	v8 =	vadd.f32 v15, v8  }
0x3a0: {  	v43 =	vld.idx.msk [tilespmem:v3+s6+$0x0], $0xffff;
	v3 =	vor.u32 v56, v38;
	v14 =	vadd.f32 v24, v63;
	[tilespmem:s5+$0x3A0] =	vst v27  }
0x3a1: {  	v10 =	vadd.f32 v26, v60;
	v49 =	vmul.f32 v57, v7;
	[tilespmem:s5+$0xFFFFFC20] =	vst v8;
	v8 =	vld.idx.msk [tilespmem:v23+s6+$0x0], $0xffff  }
0x3a2: {  	v46 =	vor.u32 v56, v34;
	v1 =	vadd.f32 v1, v58;
	v57 =	vmul.f32 v35, v7;
	[tilespmem:s5+$0xFFFFFDB0] =	vst v14  }
0x3a3: {  	v48 =	vor.u32 v56, v33;
	v0 =	vadd.f32 v0, v49;
	[tilespmem:s5+$0xFFFFFE30] =	vst v10;
	v52 =	vld.idx.msk [tilespmem:v42+s6+$0x0], $0xffff  }
0x3a4: {  	v47 =	vmul.f32 v45, v7;
	[tilespmem:s5+$0xFFFFFEB0] =	vst v1;
	v9 =	vld.idx.msk [tilespmem:v28+s6+$0x0], $0xffff;
	v10 =	vadd.f32 v50, v57  }
0x3a5: {  	v12 =	vld.idx.msk [tilespmem:v40+s6+$0x0], $0xffff;
	[tilespmem:s5+$0xFFFFFFB0] =	vst v0;
	v2 =	vadd.f32 v2, v36  }
0x3a6: {  	v59 =	vmul.f32 v29, v7;
	v3 =	vld.idx.msk [tilespmem:v3+s6+$0x0], $0xffff;
	[tilespmem:s5+$0x1B0] =	vst v10;
	v8 =	vadd.f32 v8, v47  }
0x3a7: {  	v53 =	vmul.f32 v32, v7;
	v11 =	vadd.f32 v61, v37;
	[tilespmem:s5+$0xFFFFFCB0] =	vst v2  }
0x3a8: {  	v58 =	vld.idx.msk [tilespmem:v48+s6+$0x0], $0xffff;
	v1 =	vadd.f32 v52, v59;
	[tilespmem:s5+$0xFFFFFF30] =	vst v8;
	v8 =	vmul.f32 v39, v7  }
0x3a9: {  	v60 =	vmul.f32 v30, v7;
	v9 =	vadd.f32 v9, v53;
	[tilespmem:s5+$0xFFFFFD30] =	vst v11;
	v56 =	vld.idx.msk [tilespmem:v46+s6+$0x0], $0xffff  }
0x3aa: {  	v51 =	vmul.f32 v31, v7;
	[tilespmem:s5+$0x230] =	vst v1;
	v8 =	vadd.f32 v12, v8  }
0x3ab: {  	v61 =	vmul.f32 v54, v7;
	v3 =	vadd.f32 v3, v60;
	[tilespmem:s5+$0xB0] =	vst v9  }
0x3ac: {  	v2 =	vadd.f32 v43, v51;
	[tilespmem:s5+$0x130] =	vst v8;
	v8 =	vmul.f32 v44, v7  }
.Ltmp5:
0x3ad: {  	v63 =	vadd.f32 v58, v61;
	[tilespmem:s5+$0x2B0] =	vst v3;
	(pc) =	sbr.rel @p1 .LBB2_10-.Ltmp5, $4  }
0x3ae: {  	[tilespmem:s5+$0x30] =	vst v2;
	v0 =	vadd.f32 v56, v8  }
0x3af: {  	s18 =	sshll.u32 s18, $0x4;
	[tilespmem:s5+$0x3B0] =	vst v63  }
0x3b0: {  	s20 =	sadd.s32 s8, s18;
	[tilespmem:s5+$0xFFFFFC30] =	vst v0  }
0x3b1: {  	[hbm4b:s20+s6] =	stream.linear.scatter [tilespmem:s29], [sflag:$0x4], $0x8000, $0x38;
	[tilespmem:$0x12100] =	vst v63  }
0x3b2: {  	s4 =	sadd.s32 s4, s16  }
.Ltmp6:
0x3b3: {  	s4 =	sshrl.u32 s4, $0x3;
	(pc) =	sbr.rel .LBB2_4-.Ltmp6, $4  }
0x3b4: {  	s5 =	sadd.s32 s0, s4  }
0x3b5: {  	[tilespmem:s23], [sflag:$0x3] =	stream.linear.gather [hbm4b:s5+s6], $0x100, $0x38;
	[tilespmem:$0x12100] =	vst v63  }
0x3b6: {  	s2 =	sadd.s32 $0x1, s2;
	s4 =	sadd.s32 s7, s4  }
0x3b7: {  	[tilespmem:s24], [sflag:$0x3] =	stream.linear.gather [hbm4b:s4+s6], $0x100, $0x38;
	[tilespmem:$0x12100] =	vst v63  }
.LBB2_11:
0x3b8: {  	_ =	sfence.sel $0x180000  }
0x3b9: {  	[bflag:$0x0] =	sbarrier.arrive $0xFFFF  }
0x3ba: {  	_ =	strace $0x90000047  }
0x3bb: {  	s0 =	stileid.u32;
	[bflag:$0x2] =	sbarrier.arrive $0xFFFF  }
0x3bc: {  	p0 =	sne.s32 s0, $0x0;
	s0 =	rddreg [dreg:$0x5]  }
0x3bd: {  	s0 =	sadd.s32 @!p0 $0x100000, s0  }
0x3be: {  	[sflag:s0] =	ssyncadd.tile.s32 @!p0 $0x1;
	_ =	shalt  }
.Lfunc_end2:
_tile_overlayer_lowered:
.L_overlay_start_2:
0x3bf: {  	(tag) =	ssettag $0x2  }
0x3c0: {  	s0 =	rddreg [dreg:$0x0];
	s2 =	stileid.u32  }
0x3c1: {  	s1 =	rddreg [dreg:$0x1];
	p0 =	sne.s32 s2, $0x0  }
0x3c2: {  	s3 =	rddreg [dreg:$0x2];
	[bflag:$0x3] =	sbarrier.arrive $0xFFFF;
	s2 =	simm.s32 @!p0 $0x1C05  }
0x3c3: {  	[timem:s3], [sflag:s2] =	dma.local @!p0 [hbm:s0], s1  }
0x3c4: {  	s0 =	simm.s32 @!p0 $0x5  }
0x3c5: {  	_ =	swait.ge @!p0 [sflag:s0], s1  }
0x3c6: {  	s1 =	ssub.s32 @!p0 $0x0, s1;
	[sflag:s0] =	ssyncset.done @!p0 $0x0  }
0x3c7: {  	[sflag:s0] =	ssyncadd.s32 @!p0 s1  }
0x3c8: {  	[bflag:$0x3] =	sbarrier.arrive $0xFFFF  }
0x3c9: {  	_ =	shalt  }

// kernel: sparse-core-data-format-call.cloned.1.call-start
scs
called_computation_lowered:
.L_overlay_start_0:
0x0: {  	s2 =	sld [smem:$0x3FD9]  }
0x1: {  	s3 =	sld [smem:$0x3FFE];
	_ =	sdelay $0x1  }
0x2: {  	s1 =	srdreg.scid  }
0x3: {  	s0 =	sand.u32 $0x1, s1  }
0x4: {  	s18 =	sshll.u32 s0, $0xA;
	s2 =	sadd.s32 s3, s2  }
0x5: {  	s2 =	sadd.s32 s2, s18  }
0x6: {  	[smem:$0x3FC3] =	sst s2  }
0x7: {  	_ = 	snop  }
0x8: {  	s2 =	sld [smem:$0x3FD0];
	(tm) =	ssettm $0x1  }
0x9: {  	s19 =	sld [smem:$0x3FFB];
	_ =	sdelay $0x3  }
0xa: {  	_ =	strace s19  }
0xb: {  	s3 =	sld [smem:$0x3FFC];
	_ =	sdelay $0x3  }
0xc: {  	_ =	strace s3  }
0xd: {  	s3 =	sld [smem:$0x3FFD];
	_ =	sdelay $0x3  }
0xe: {  	_ =	strace s3  }
0xf: {  	_ =	strace $0x8FFFFFFF  }
0x10: {  	s20 =	sld [smem:$0x3FDB];
	_ =	sdelay $0x1  }
0x11: {  	s4 =	simm.s32 $_scs_section_size  }
0x12: {  	s5 =	simm.s32 $_size__tile_overlayer_lowered;
	s6 =	simm.s32 $_tile_overlayer_lowered  }
0x13: {  	s23 =	simm.s32 $0x1BFF;
	s22 =	sshll.u32 s6, $0x1;
	s3 =	sadd.s32 s4, s20  }
0x14: {  	s7 =	simm.s32 $0x0;
	s21 =	sshll.u32 s5, $0x1;
	s5 =	sadd.s32 s22, s3  }
0x15: {  	[timem:s7], [sflag:s23] =	dma.local [hbm:s5], s21  }
0x16: {  	_ =	swait.ge [sflag:s23], s21  }
0x17: {  	s4 =	ssub.s32 $0x0, s21;
	[sflag:s23] =	ssyncset.done $0x0  }
0x18: {  	[sflag:s23] =	ssyncadd.s32 s4;
	_ =	sdelay $0x1  }
0x19: {  	s24 =	simm.s32 $0x1B8B  }
0x1a: {  	_ =	swait.ge [sflag:s24], $0x1  }
0x1b: {  	[sflag:s24] =	ssyncset.done $0x0  }
0x1c: {  	s26 =	simm.s32 $0x1B8E;
	s25 =	sld [smem:$0x3FFE];
	[sflag:s24] =	ssyncadd.s32 $0xFFFFFFFF  }
0x1d: {  	s27 =	simm.s32 $execute0_lowered;
	[smem:$0x3FD2] =	sst s26  }
0x1e: {  	s5 =	sshll.u32 s27, $0x1;
	_ =	strace $0x80000049;
	[dreg:$0x1] =	wrdreg $0xFFFFFFFF  }
0x1f: {  	s28 =	simm.s32 $_size_execute0_lowered;
	s3 =	sadd.s32 s3, s5;
	[dreg:$0x0] =	wrdreg $0x0  }
0x20: {  	s5 =	sshll.u32 s28, $0x1;
	[dreg:$0x2] =	wrdreg s3  }
0x21: {  	[dreg:$0x3] =	wrdreg s5  }
0x22: {  	[dreg:$0x4] =	wrdreg $0xC0  }
0x23: {  	_ =	task [dreg:s7], $0x5FFFF  }
0x24: {  	[dreg:$0x1] =	wrdreg $0xFFFFFFFF  }
0x25: {  	[dreg:$0x0] =	wrdreg $0x60  }
0x26: {  	[dreg:$0x2] =	wrdreg s25  }
0x27: {  	[dreg:$0x3] =	wrdreg s2  }
0x28: {  	[dreg:$0x4] =	wrdreg $0x9  }
0x29: {  	_ =	task.clear_ibuf [dreg:s7], $0x5FFFF;
	_ =	strace $0x90000049  }
0x2a: {  	s29 =	simm.s32 $0x9;
	_ =	strace $0x8000004B  }
0x2b: {  	_ =	swait.ge [sflag:s29], $0x1  }
0x2c: {  	[sflag:s29] =	ssyncadd.s32 $0xFFFFFFFF  }
0x2d: {  	_ =	strace $0x9000004B  }
0x2e: {  	_ =	sfence  }
0x2f: {  	s30 =	sld [smem:$0x0];
	_ =	sdelay $0x2  }
0x30: {  	s31 =	sshll.u32 s1, $0xD;
	s1 =	sshrl.u32 s1, $0x2  }
0x31: {  	s3 =	sand.u32 $0x4000, s31;
	s1 =	sadd.s32 s1, s30  }
0x32: {  	s0 =	sor.u32 s3, s0;
	s1 =	sshll.u32 s1, $0x11  }
0x33: {  	s0 =	sor.u32 s1, s0  }
0x34: {  	s0 =	sadd.s32 $0x8F2B, s0  }
0x35: {  	[sflag:s0] =	ssyncadd.remote.s32 $0x1  }
0x36: {  	_ =	sfence.sel $0xFFFF  }
0x37: {  	[dreg:$0x0] =	wrdreg $0xFFFFFFFF;
	(pc) =	sbr.abs _section_cstart, $3  }
0x38: {  	[dreg:$0x1] =	wrdreg $0xFFFFFFFF  }
0x39: {  	_ =	task.clear_ibuf [dreg:s7], $0x2FFFF;
	_ =	strace $0x9FFFFFFF  }
0x3a: {  	(tm) =	ssettm $0x7FFFFFFF  }
0x3b: {  	_ =	shalt  }
tec
execute0_lowered:
.L_overlay_start_1:
0x0: {  	(tag) =	ssettag $0x1  }
0x1: {  	s0 =	srdreg.scid  }
0x2: {  	s1 =	sshll.u32 s0, $0x4  }
0x3: {  	s0 =	stileid.u32;
	s1 =	sand.u32 $0x10, s1  }
0x4: {  	s1 =	sor.u32 s0, s1  }
0x5: {  	s6 =	rddreg [dreg:$0x0];
	s4 =	simm.s32 $0x1;
	s2 =	sshll.u32 s1, $0x7  }
0x6: {  	s7 =	simm.s32 $0x2;
	s12 =	simm.s32 $0x0;
	s1 =	ssub.s32 $0x1000, s2  }
0x7: {  	s8 =	simm.s32 $0x8000;
	s13 =	simm.s32 $0x0;
	s3 =	sand.u32 $0xF80, s1  }
0x8: {  	s9 =	simm.s32 $0x0;
	s5 =	sshrl.u32 s1, $0xC;
	p0 =	sne.s32 s3, $0x0  }
.Ltmp0:
0x9: {  	s1 =	rddreg [dreg:$0x2];
	s4 =	simm.s32 @!p0 $0x0;
	(pc) =	sbr.rel .LBB1_1-.Ltmp0, $4  }
0xa: {  	s11 =	simm.s32 $0x0;
	s3 =	rddreg [dreg:$0x1];
	s5 =	sadd.s32 s4, s5  }
0xb: {  	_ =	strace $0x8000004A;
	s4 =	simm.s32 $0x1;
	s5 =	smul.u32 $0xC8, s5  }
0xc: {  	s6 =	sadd.s32 $0x19A00, s6;
	s10 =	smov.u32 s2;
	[sflag:s4] =	ssyncpa.u1 $0x0  }
0xd: {  	p0 =	por $0x0, $0x0;
	[sflag:s7] =	ssyncpa.u1 $0x0;
	s7 =	sor.u32 $0x1, s5  }
.LBB1_4:
0xe: {  	s16 =	sshll.u32 s13, $0x3;
	s17 =	sand.u32 $0x78, s13  }
0xf: {  	s30 =	sand.u32 $0x7E00, s13;
	s12 =	sshll.u32 s12, $0xF;
	s16 =	sand.u32 $0xC00, s16  }
0x10: {  	[tilespmem:s15+$0x810 ss:$0x81] =	vst.msk $0xffff, v2;
	s31 =	sand.u32 $0x7, s13;
	s16 =	sor.u32 s17, s16;
	s17 =	sadd.s32 s3, s30  }
0x11: {  	[tilespmem:s15+$0x1020 ss:$0x81] =	vst.msk $0xffff, v0;
	s13 =	sshll.u32 s31, $0x12;
	s12 =	sadd.s32 s12, s17;
	s16 =	sshrl.u32 s16, $0x3  }
0x12: {  	[tilespmem:s15+$0x0 ss:$0x81] =	vst.msk $0xffff, v1;
	s13 =	sor.u32 $0x400, s13;
	s12 =	sadd.s32 s16, s12  }
0x13: {  	[hbm4b:s12+s13] =	stream.strided.scatter [tilespmem:s14], [sflag:$0x2], $0x2000, s8, s13, $0x20;
	[tilespmem:$0x8080] =	vst v63  }
.LBB1_5:
0x14: {  	s14 =	sadd.s32 $0x1, s9  }
0x15: {  	s12 =	sadd.s32 $0x1000, s10;
	s16 =	smov.u32 s10;
	p2 =	sgt.s32 s14, $0xC7  }
0x16: {  	s16 =	smov.u32 @p2 s12  }
0x17: {  	s14 =	simm.s32 @p2 $0x0;
	p2 =	sgt.s32 s16, $0xFFF  }
0x18: {  	s16 =	smov.u32 @p2 s2;
	p2 =	sne.s32 s11, s7  }
.Ltmp1:
0x19: {  	p1 =	slt.u32 s11, $0x2;
	(pc) =	sbr.rel @!p2 .LBB1_6-.Ltmp1, $4  }
0x1a: {  	s15 =	simm.s32 @!p1 $0x2  }
0x1b: {  	s13 =	smov.u32 s10;
	p0 =	por !p0, !p0;
	_ =	swait.ge @!p1 [sflag:s15], $0x2000  }
0x1c: {  	s12 =	smov.u32 s9;
	[sflag:s15] =	ssyncset.done @!p1 $0x0;
	s9 =	smov.u32 s14  }
0x1d: {  	s11 =	sadd.s32 $0x1, s11;
	[sflag:s15] =	ssyncadd.s32 @!p1 $0xFFFFE000;
	s10 =	smov.u32 s16  }
.LBB1_1:
0x1e: {  	p1 =	sge.u32 s11, s5  }
0x1f: {  	s14 =	sand.u32 @!p1 $0x1FFFFFF, s9  }
0x20: {  	s15 =	smulhi.u32 @!p1 $0x147AE15, s14;
	_ =	sdelay $0x1  }
0x21: {  	s15 =	smul.u32 @!p1 $0xC8, s15  }
0x22: {  	s16 =	sxor.u32 @!p1 $0xFFFFFFFF, s11;
	s17 =	smul.u32 @!p1 $0xC80, s10  }
0x23: {  	s31 =	sadd.s32 $0xFFFFFFFF, s11;
	s16 =	sshll.u32 @!p1 s16, $0xD;
	s14 =	ssub.s32 @!p1 s14, s15  }
0x24: {  	s15 =	sand.u32 @!p1 $0x2000, s16;
	s16 =	sadd.s32 @!p1 s6, s17;
	s14 =	sshll.u32 @!p1 s14, $0x4  }
0x25: {  	s17 =	simm.s32 @!p1 $0x6400;
	s14 =	sadd.s32 @!p1 s14, s16;
	s16 =	simm.s32 @!p1 $0x40  }
0x26: {  	[tilespmem:s15], [sflag:$0x1] =	stream.strided.gather @!p1 [hbm4b:s14+s16], $0x2000, s17, s16, $0x38;
	[tilespmem:$0x8080] =	vst v63  }
0x27: {  	p1 =	sge.u32 s31, s5  }
.Ltmp2:
0x28: {  	_ = 	snop;
	(pc) =	sbr.rel @p1 .LBB1_5-.Ltmp2, $1  }
0x29: {  	_ =	sdelay $0x3  }
0x2a: {  	s14 =	simm.s32 $0x1  }
0x2b: {  	_ =	swait.ge [sflag:s4], $0x2000;
	s14 =	simm.s32 @!p0 $0x0  }
0x2c: {  	[sflag:s4] =	ssyncset.done $0x0;
	s15 =	sshll.u32 s14, $0xD  }
0x2d: {  	[sflag:s4] =	ssyncadd.s32 $0xFFFFE000;
	s18 =	sor.u32 $0x20, s15  }
0x2e: {  	s14 =	smul.u32 $0x8100, s14;
	v3 =	vld [tilespmem:s18+$0x10]  }
0x2f: {  	s30 =	sand.u32 $0x1, s11;
	v2 =	vld [tilespmem:s18+$0xFFFFFFF0]  }
0x30: {  	s15 =	smul.u32 $0x8100, s30;
	s14 =	sshrl.u32 s14, $0x2;
	v0 =	vld [tilespmem:s18+$0x0]  }
0x31: {  	v1 =	vld [tilespmem:s18+$0xFFFFFFE0];
	s16 =	sor.u32 $0x4000, s14  }
0x32: {  	s31 =	sshrl.u32 s15, $0x2;
	s15 =	sadd.s32 $0x0, s16  }
0x33: {  	s17 =	simm.s32 $0x4;
	s18 =	sadd.s32 $0x40, s18;
	s14 =	sor.u32 $0x4000, s31;
	[tilespmem:s15+$0x1830 ss:$0x81] =	vst.msk $0xffff, v3  }
.LBB1_3:
0x34: {  	v3 =	vld [tilespmem:s18+$0x10];
	p1 =	sne.s32 s17, $0x1FC;
	[tilespmem:s15+$0x810 ss:$0x81] =	vst.msk $0xffff, v2;
	s19 =	smov.u32 s17;
	s17 =	sadd.s32 $0x4, s17  }
.Ltmp3:
0x35: {  	v2 =	vld [tilespmem:s18+$0xFFFFFFF0];
	[tilespmem:s15+$0x1020 ss:$0x81] =	vst.msk $0xffff, v0;
	(pc) =	sbr.rel @p1 .LBB1_3-.Ltmp3, $4  }
0x36: {  	v0 =	vld [tilespmem:s18+$0x0];
	[tilespmem:s15+$0x0 ss:$0x81] =	vst.msk $0xffff, v1  }
0x37: {  	s15 =	sshra.s32 s19, $0x2;
	v1 =	vld [tilespmem:s18+$0xFFFFFFE0]  }
0x38: {  	s15 =	sadd.s32 s15, s16  }
0x39: {  	s18 =	sadd.s32 $0x40, s18;
	[tilespmem:s15+$0x1830 ss:$0x81] =	vst.msk $0xffff, v3  }
.Ltmp4:
0x3a: {  	_ = 	snop;
	(pc) =	sbr.rel .LBB1_4-.Ltmp4, $1  }
0x3b: {  	_ =	sdelay $0x3  }
.LBB1_6:
0x3c: {  	_ =	sfence.sel $0x180000  }
0x3d: {  	s2 =	simm.s32 $0x1;
	[bflag:$0x0] =	sbarrier.arrive $0xFFFF  }
0x3e: {  	s31 =	simm.s32 $0x2;
	[sflag:s2] =	ssyncpa.u1 $0x1  }
0x3f: {  	[sflag:s31] =	ssyncpa.u1 $0x1  }
0x40: {  	p0 =	sne.s32 s0, $0x0;
	_ =	strace $0x9000004A  }
0x41: {  	s0 =	sadd.s32 @!p0 $0x100000, s1;
	[bflag:$0x2] =	sbarrier.arrive $0xFFFF  }
0x42: {  	[sflag:s0] =	ssyncadd.tile.s32 @!p0 $0x1;
	_ =	shalt  }
.Lfunc_end1:
_tile_overlayer_lowered:
.L_overlay_start_2:
0x43: {  	(tag) =	ssettag $0x2  }
0x44: {  	s0 =	rddreg [dreg:$0x0];
	s2 =	stileid.u32  }
0x45: {  	s1 =	rddreg [dreg:$0x1];
	p0 =	sne.s32 s2, $0x0  }
0x46: {  	s3 =	rddreg [dreg:$0x2];
	[bflag:$0x3] =	sbarrier.arrive $0xFFFF;
	s2 =	simm.s32 @!p0 $0x1C01  }
0x47: {  	[timem:s3], [sflag:s2] =	dma.local @!p0 [hbm:s0], s1  }
0x48: {  	s0 =	simm.s32 @!p0 $0x1  }
0x49: {  	_ =	swait.ge @!p0 [sflag:s0], s1  }
0x4a: {  	s1 =	ssub.s32 @!p0 $0x0, s1;
	[sflag:s0] =	ssyncset.done @!p0 $0x0  }
0x4b: {  	[sflag:s0] =	ssyncadd.s32 @!p0 s1  }
0x4c: {  	[bflag:$0x3] =	sbarrier.arrive $0xFFFF  }
0x4d: {  	_ =	shalt  }

</sc_bundles>
